<compile_context>
chip_gen: v7x
topology: tpu7x:2x2x1
jax: 0.10.2.dev20260603
libtpu: 0.0.44.dev20260713+nightly
codegen_flags: <defaults>
</compile_context>

<pallas_src>
import functools

import jax
import jax.numpy as jnp
from jax import lax
from jax.experimental import pallas as pl
from jax.experimental.pallas import tpu as pltpu
from jax.experimental.pallas import tpu_sc as plsc

EMBED_DIM = 64
MAX_LEN = 200
SCALE = float(EMBED_DIM) ** 0.5

NUM_CORES = 2
NUM_SUBCORES = 16
NW = NUM_CORES * NUM_SUBCORES

GATHER = 128
CHUNK = 512
SUBG = CHUNK // GATHER


def _make_sc_kernel(total):
    assert total % (NW * CHUNK) == 0
    b_per_w = total // NW
    nchunk = b_per_w // CHUNK
    mesh = plsc.VectorSubcoreMesh(
        core_axis_name="c",
        subcore_axis_name="s",
        num_cores=NUM_CORES,
        num_subcores=NUM_SUBCORES,
    )

    @functools.partial(
        pl.kernel,
        out_type=jax.ShapeDtypeStruct((total, EMBED_DIM), jnp.float32),
        mesh=mesh,
        compiler_params=pltpu.CompilerParams(use_tc_tiling_on_sc=False),
        scratch_types=[
            pltpu.VMEM((b_per_w,), jnp.int32),
            pltpu.VMEM((2, CHUNK, EMBED_DIM), jnp.float32),
            pltpu.VMEM((MAX_LEN, EMBED_DIM), jnp.float32),
            pltpu.SemaphoreType.DMA,
            pltpu.SemaphoreType.DMA,
            pltpu.SemaphoreType.DMA,
            pltpu.SemaphoreType.DMA,
        ],
    )
    def sc_kernel(ids_hbm, table_hbm, pos_hbm, out_hbm,
                  idx_v, rows_v, pos_v, gsem0, gsem1, wsem0, wsem1):
        wid = lax.axis_index("c") * NUM_SUBCORES + lax.axis_index("s")
        wbase = wid * b_per_w
        pltpu.sync_copy(pos_hbm, pos_v)
        pltpu.sync_copy(ids_hbm.at[pl.ds(wbase, b_per_w)], idx_v)
        gsems = (gsem0, gsem1)
        wsems = (wsem0, wsem1)

        def fire_gathers(i, b, sem):
            for j in range(SUBG):
                pltpu.async_copy(
                    table_hbm.at[idx_v.at[pl.ds(i * CHUNK + j * GATHER, GATHER)]],
                    rows_v.at[b, pl.ds(j * GATHER, GATHER)],
                    sem,
                )

        def wait_gathers(i, b, sem):
            for j in range(SUBG):
                pltpu.make_async_copy(
                    table_hbm.at[idx_v.at[pl.ds(i * CHUNK + j * GATHER, GATHER)]],
                    rows_v.at[b, pl.ds(j * GATHER, GATHER)],
                    sem,
                ).wait()

        def wait_writeback(i, b, sem):
            pltpu.make_async_copy(
                rows_v.at[b],
                out_hbm.at[pl.ds(wbase + i * CHUNK, CHUNK)],
                sem,
            ).wait()

        fire_gathers(0, 0, gsems[0])

        @pl.loop(0, nchunk, step=2)
        def pipeline(i2):
            for b in range(2):
                i = i2 + b
                nb = 1 - b
                sem_b = gsems[b]

                @pl.when(i + 1 < nchunk)
                def _prefetch():
                    @pl.when(i >= 1)
                    def _():
                        wait_writeback(i - 1, nb, wsems[nb])

                    fire_gathers(i + 1, nb, gsems[nb])

                wait_gathers(i, b, sem_b)
                start = lax.rem(i * CHUNK, MAX_LEN)

                def row_body(r, _):
                    p = lax.rem(start + r, MAX_LEN)
                    for g in range(EMBED_DIM // 16):
                        sl = pl.ds(g * 16, 16)
                        rows_v[b, r, sl] = rows_v[b, r, sl] * SCALE + pos_v[p, sl]
                    return 0

                lax.fori_loop(0, CHUNK, row_body, 0)
                pltpu.async_copy(
                    rows_v.at[b],
                    out_hbm.at[pl.ds(wbase + i * CHUNK, CHUNK)],
                    wsems[b],
                )

        wait_writeback(nchunk - 2, 0, wsems[0])
        wait_writeback(nchunk - 1, 1, wsems[1])

    return sc_kernel


def kernel(item_id, item_table, pos_table):
    batch, max_len = item_id.shape
    assert max_len == MAX_LEN
    total = batch * max_len
    ids_flat = item_id.reshape(total)
    sc = _make_sc_kernel(total)
    out = sc(ids_flat, item_table, pos_table)
    return out.reshape(batch, max_len, EMBED_DIM)

# --- scband reference (transcript-rebuilt; emitter-appended) ---
"""Pipeline reference for scband-sas-rec-embedding-25804163514407 (READ-ONLY COPY).

The authoritative reference and input builder live on the scoring server;
editing this copy changes nothing except your own understanding.
"""

import jax, jax.numpy as jnp
import numpy as np

VOCAB = 1000000
EMBED_DIM = 64
MAX_LEN = 200
BATCH = 4096
PADDING_IDX = 0


def setup_inputs(seed: int = 0) -> dict:
    key = jax.random.key(seed)
    k_idx, k_item, k_pos = jax.random.split(key, 3)
    item_id = jax.random.randint(k_idx, (BATCH, MAX_LEN), 0, VOCAB, dtype=jnp.int64 if jax.config.jax_enable_x64 else jnp.int32).astype(jnp.int32)
    item_table = jax.random.normal(k_item, (VOCAB, EMBED_DIM), dtype=jnp.float32) * 0.02
    # padding row is zeroed (torch padding_idx semantics)
    item_table = item_table.at[PADDING_IDX].set(0.0)
    pos_table = jax.random.normal(k_pos, (MAX_LEN, EMBED_DIM), dtype=jnp.float32) * 0.02
    return {"item_id": item_id, "item_table": item_table, "pos_table": pos_table}


def reference(item_id, item_table, pos_table):
    # SasRecEmbedding.forward (dropout is identity in eval mode):
    # seqs = item_emb(ids) * sqrt(embedding_dim)
    embedding_dim = item_table.shape[1]
    seqs = jnp.take(item_table, item_id, axis=0) * (embedding_dim ** 0.5)
    # seqs += positional embedding weight broadcast over batch
    seqs = seqs + pos_table[None, :, :]
    return seqs

if __name__ == "__main__":
    import jax
    _d = setup_inputs()
    print(jax.jit(kernel)(*tuple(_d.values())))

</pallas_src>

<mosaic_0001>
#map = affine_map<(d0, d1) -> (0)>
#map1 = affine_map<(d0, d1) -> (0, 0)>
module attributes {stable_mosaic.version = 14 : i64} {
  func.func @sc_kernel(%arg0: i32, %arg1: i32, %arg2: memref<819200xi32, #tpu.memory_space<hbm>>, %arg3: memref<1000000x64xf32, #tpu.memory_space<hbm>>, %arg4: memref<200x64xf32, #tpu.memory_space<hbm>>, %arg5: memref<819200x64xf32, #tpu.memory_space<hbm>>, %arg6: memref<25600xi32, #tpu.memory_space<vmem>>, %arg7: memref<2x512x64xf32, #tpu.memory_space<vmem>>, %arg8: memref<200x64xf32, #tpu.memory_space<vmem>>, %arg9: memref<!tpu.dma_semaphore, #tpu.memory_space<semaphore_mem>>, %arg10: memref<!tpu.dma_semaphore, #tpu.memory_space<semaphore_mem>>, %arg11: memref<!tpu.dma_semaphore, #tpu.memory_space<semaphore_mem>>, %arg12: memref<!tpu.dma_semaphore, #tpu.memory_space<semaphore_mem>>) attributes {dimension_semantics = [#tpu.dimension_semantics<core_parallel>, #tpu.dimension_semantics<subcore_parallel>], iteration_bounds = array<i64: 2, 16>, scalar_prefetch = 0 : i64, scratch_operands = 7 : i64, tpu.core_type = #tpu.core_type<sc_vector_subcore>, window_params = [{transform_indices = #map}, {transform_indices = #map1}, {transform_indices = #map1}, {transform_indices = #map1}]} {
    %mul3A = arith.constant 16 : i32
    %mul3A_0 = arith.muli %arg0, %mul3A : i32
    %add3A = arith.addi %mul3A_0, %arg1 : i32
    %mul3A_1 = arith.constant 25600 : i32
    %mul3A_2 = arith.muli %add3A, %mul3A_1 : i32
    "tpu.region"() ({
      %run_scoped3A = tpu.sem_alloc : memref<!tpu.dma_semaphore, #tpu.memory_space<semaphore_mem>>
      tpu.enqueue_dma source(%arg4 : memref<200x64xf32, #tpu.memory_space<hbm>>) target(%arg8 : memref<200x64xf32, #tpu.memory_space<vmem>>) target_semaphore(%run_scoped3A : memref<!tpu.dma_semaphore, #tpu.memory_space<semaphore_mem>>)
      tpu.wait_dma2 semaphore(%run_scoped3A : memref<!tpu.dma_semaphore, #tpu.memory_space<semaphore_mem>>) src(%arg4 : memref<200x64xf32, #tpu.memory_space<hbm>>) dst(%arg8 : memref<200x64xf32, #tpu.memory_space<vmem>>)
      tpu.yield
    }) : () -> ()
    "tpu.region"() ({
      %run_scoped3A = tpu.sem_alloc : memref<!tpu.dma_semaphore, #tpu.memory_space<semaphore_mem>>
      %dma_start3A_75 = tpu.memref_slice %arg2[%mul3A_2] : memref<819200xi32, #tpu.memory_space<hbm>> -> memref<25600xi32, #tpu.memory_space<hbm>>
      %dma_start3A_76 = tpu.memref_slice %arg2[%mul3A_2] : memref<819200xi32, #tpu.memory_space<hbm>> -> memref<25600xi32, #tpu.memory_space<hbm>>
      tpu.enqueue_dma source(%dma_start3A_76 : memref<25600xi32, #tpu.memory_space<hbm>>) target(%arg6 : memref<25600xi32, #tpu.memory_space<vmem>>) target_semaphore(%run_scoped3A : memref<!tpu.dma_semaphore, #tpu.memory_space<semaphore_mem>>)
      %dma_wait3A_77 = tpu.memref_slice %arg2[%mul3A_2] : memref<819200xi32, #tpu.memory_space<hbm>> -> memref<25600xi32, #tpu.memory_space<hbm>>
      %dma_wait3A_78 = tpu.memref_slice %arg2[%mul3A_2] : memref<819200xi32, #tpu.memory_space<hbm>> -> memref<25600xi32, #tpu.memory_space<hbm>>
      tpu.wait_dma2 semaphore(%run_scoped3A : memref<!tpu.dma_semaphore, #tpu.memory_space<semaphore_mem>>) src(%dma_wait3A_78 : memref<25600xi32, #tpu.memory_space<hbm>>) dst(%arg6 : memref<25600xi32, #tpu.memory_space<vmem>>)
      tpu.yield
    }) : () -> ()
    %dma_start3A = arith.constant 0 : i32
    %dma_start3A_3 = arith.constant 0 : i32
    %dma_start3A_4 = arith.constant 0 : i32
    %dma_start3A_5 = tpu.memref_slice %arg7[%dma_start3A, %dma_start3A_3, %dma_start3A_4] : memref<2x512x64xf32, #tpu.memory_space<vmem>> -> memref<1x128x64xf32, #tpu.memory_space<vmem>>
    %dma_start3A_6 = tpu.memref_squeeze %dma_start3A_5 : memref<1x128x64xf32, #tpu.memory_space<vmem>> -> memref<128x64xf32, #tpu.memory_space<vmem>>
    %dma_start3A_7 = arith.constant 0 : i32
    %dma_start3A_8 = tpu.memref_slice %arg6[%dma_start3A_7] : memref<25600xi32, #tpu.memory_space<vmem>> -> memref<128xi32, #tpu.memory_space<vmem>>
    %dma_start3A_9 = arith.constant 0 : i32
    %dma_start3A_10 = arith.constant 0 : i32
    %dma_start3A_11 = tpu.memref_slice %arg3[%dma_start3A_9, %dma_start3A_10] : memref<1000000x64xf32, #tpu.memory_space<hbm>> -> memref<1000000x64xf32, #tpu.memory_space<hbm>>
    tpu.enqueue_indirect_dma source(%dma_start3A_11 : memref<1000000x64xf32, #tpu.memory_space<hbm>>) target(%dma_start3A_6 : memref<128x64xf32, #tpu.memory_space<vmem>>) offsets(%dma_start3A_8 : memref<128xi32, #tpu.memory_space<vmem>>) semaphore(%arg9 : memref<!tpu.dma_semaphore, #tpu.memory_space<semaphore_mem>>)
    %dma_start3A_12 = arith.constant 0 : i32
    %dma_start3A_13 = arith.constant 128 : i32
    %dma_start3A_14 = arith.constant 0 : i32
    %dma_start3A_15 = tpu.memref_slice %arg7[%dma_start3A_12, %dma_start3A_13, %dma_start3A_14] : memref<2x512x64xf32, #tpu.memory_space<vmem>> -> memref<1x128x64xf32, #tpu.memory_space<vmem>>
    %dma_start3A_16 = tpu.memref_squeeze %dma_start3A_15 : memref<1x128x64xf32, #tpu.memory_space<vmem>> -> memref<128x64xf32, #tpu.memory_space<vmem>>
    %dma_start3A_17 = arith.constant 128 : i32
    %dma_start3A_18 = tpu.memref_slice %arg6[%dma_start3A_17] : memref<25600xi32, #tpu.memory_space<vmem>> -> memref<128xi32, #tpu.memory_space<vmem>>
    %dma_start3A_19 = arith.constant 0 : i32
    %dma_start3A_20 = arith.constant 0 : i32
    %dma_start3A_21 = tpu.memref_slice %arg3[%dma_start3A_19, %dma_start3A_20] : memref<1000000x64xf32, #tpu.memory_space<hbm>> -> memref<1000000x64xf32, #tpu.memory_space<hbm>>
    tpu.enqueue_indirect_dma source(%dma_start3A_21 : memref<1000000x64xf32, #tpu.memory_space<hbm>>) target(%dma_start3A_16 : memref<128x64xf32, #tpu.memory_space<vmem>>) offsets(%dma_start3A_18 : memref<128xi32, #tpu.memory_space<vmem>>) semaphore(%arg9 : memref<!tpu.dma_semaphore, #tpu.memory_space<semaphore_mem>>)
    %dma_start3A_22 = arith.constant 0 : i32
    %dma_start3A_23 = arith.constant 256 : i32
    %dma_start3A_24 = arith.constant 0 : i32
    %dma_start3A_25 = tpu.memref_slice %arg7[%dma_start3A_22, %dma_start3A_23, %dma_start3A_24] : memref<2x512x64xf32, #tpu.memory_space<vmem>> -> memref<1x128x64xf32, #tpu.memory_space<vmem>>
    %dma_start3A_26 = tpu.memref_squeeze %dma_start3A_25 : memref<1x128x64xf32, #tpu.memory_space<vmem>> -> memref<128x64xf32, #tpu.memory_space<vmem>>
    %dma_start3A_27 = arith.constant 256 : i32
    %dma_start3A_28 = tpu.memref_slice %arg6[%dma_start3A_27] : memref<25600xi32, #tpu.memory_space<vmem>> -> memref<128xi32, #tpu.memory_space<vmem>>
    %dma_start3A_29 = arith.constant 0 : i32
    %dma_start3A_30 = arith.constant 0 : i32
    %dma_start3A_31 = tpu.memref_slice %arg3[%dma_start3A_29, %dma_start3A_30] : memref<1000000x64xf32, #tpu.memory_space<hbm>> -> memref<1000000x64xf32, #tpu.memory_space<hbm>>
    tpu.enqueue_indirect_dma source(%dma_start3A_31 : memref<1000000x64xf32, #tpu.memory_space<hbm>>) target(%dma_start3A_26 : memref<128x64xf32, #tpu.memory_space<vmem>>) offsets(%dma_start3A_28 : memref<128xi32, #tpu.memory_space<vmem>>) semaphore(%arg9 : memref<!tpu.dma_semaphore, #tpu.memory_space<semaphore_mem>>)
    %dma_start3A_32 = arith.constant 0 : i32
    %dma_start3A_33 = arith.constant 384 : i32
    %dma_start3A_34 = arith.constant 0 : i32
    %dma_start3A_35 = tpu.memref_slice %arg7[%dma_start3A_32, %dma_start3A_33, %dma_start3A_34] : memref<2x512x64xf32, #tpu.memory_space<vmem>> -> memref<1x128x64xf32, #tpu.memory_space<vmem>>
    %dma_start3A_36 = tpu.memref_squeeze %dma_start3A_35 : memref<1x128x64xf32, #tpu.memory_space<vmem>> -> memref<128x64xf32, #tpu.memory_space<vmem>>
    %dma_start3A_37 = arith.constant 384 : i32
    %dma_start3A_38 = tpu.memref_slice %arg6[%dma_start3A_37] : memref<25600xi32, #tpu.memory_space<vmem>> -> memref<128xi32, #tpu.memory_space<vmem>>
    %dma_start3A_39 = arith.constant 0 : i32
    %dma_start3A_40 = arith.constant 0 : i32
    %dma_start3A_41 = tpu.memref_slice %arg3[%dma_start3A_39, %dma_start3A_40] : memref<1000000x64xf32, #tpu.memory_space<hbm>> -> memref<1000000x64xf32, #tpu.memory_space<hbm>>
    tpu.enqueue_indirect_dma source(%dma_start3A_41 : memref<1000000x64xf32, #tpu.memory_space<hbm>>) target(%dma_start3A_36 : memref<128x64xf32, #tpu.memory_space<vmem>>) offsets(%dma_start3A_38 : memref<128xi32, #tpu.memory_space<vmem>>) semaphore(%arg9 : memref<!tpu.dma_semaphore, #tpu.memory_space<semaphore_mem>>)
    %scan3A = arith.constant 0 : i32
    %scan3A_42 = arith.constant 25 : i32
    %scan3A_43 = arith.addi %scan3A, %scan3A_42 : i32
    %scan3A_44 = arith.constant 1 : i32
    scf.for %scan3A_75 = %scan3A to %scan3A_43 step %scan3A_44  : i32 {
      %mul3A_76 = arith.constant 2 : i32
      %mul3A_77 = arith.muli %scan3A_75, %mul3A_76 : i32
      %add3A_78 = arith.constant 0 : i32
      %add3A_79 = arith.addi %add3A_78, %mul3A_77 : i32
      %add3A_80 = arith.constant 0 : i32
      %add3A_81 = arith.addi %add3A_79, %add3A_80 : i32
      %add3A_82 = arith.constant 1 : i32
      %add3A_83 = arith.addi %add3A_81, %add3A_82 : i32
      %lt3A = arith.constant 50 : i32
      %lt3A_84 = arith.cmpi slt, %add3A_83, %lt3A : i32
      %convert_element_type3A = arith.extui %lt3A_84 : i1 to i32
      %cond3A = arith.constant 0 : i32
      %cond3A_85 = arith.cmpi ne, %convert_element_type3A, %cond3A : i32
      scf.if %cond3A_85 {
        %ge3A = arith.constant 1 : i32
        %ge3A_252 = arith.cmpi sge, %add3A_81, %ge3A : i32
        %convert_element_type3A_253 = arith.extui %ge3A_252 : i1 to i32
        %cond3A_254 = arith.constant 0 : i32
        %cond3A_255 = arith.cmpi ne, %convert_element_type3A_253, %cond3A_254 : i32
        scf.if %cond3A_255 {
          %sub3A = arith.constant 1 : i32
          %sub3A_310 = arith.subi %add3A_81, %sub3A : i32
          %mul3A_311 = arith.constant 512 : i32
          %mul3A_312 = arith.muli %sub3A_310, %mul3A_311 : i32
          %add3A_313 = arith.addi %mul3A_2, %mul3A_312 : i32
          %dma_wait3A_314 = arith.constant 1 : i32
          %dma_wait3A_315 = arith.constant 0 : i32
          %dma_wait3A_316 = arith.constant 0 : i32
          %dma_wait3A_317 = tpu.memref_slice %arg7[%dma_wait3A_314, %dma_wait3A_315, %dma_wait3A_316] : memref<2x512x64xf32, #tpu.memory_space<vmem>> -> memref<1x512x64xf32, #tpu.memory_space<vmem>>
          %dma_wait3A_318 = tpu.memref_squeeze %dma_wait3A_317 : memref<1x512x64xf32, #tpu.memory_space<vmem>> -> memref<512x64xf32, #tpu.memory_space<vmem>>
          %dma_wait3A_319 = arith.constant 0 : i32
          %dma_wait3A_320 = tpu.memref_slice %arg5[%add3A_313, %dma_wait3A_319] : memref<819200x64xf32, #tpu.memory_space<hbm>> -> memref<512x64xf32, #tpu.memory_space<hbm>>
          %dma_wait3A_321 = arith.constant 0 : i32
          %dma_wait3A_322 = tpu.memref_slice %arg5[%add3A_313, %dma_wait3A_321] : memref<819200x64xf32, #tpu.memory_space<hbm>> -> memref<512x64xf32, #tpu.memory_space<hbm>>
          %dma_wait3A_323 = arith.constant 0 : i32
          %dma_wait3A_324 = arith.constant 0 : i32
          %dma_wait3A_325 = tpu.memref_slice %arg7[%dma_wait3A_314, %dma_wait3A_323, %dma_wait3A_324] : memref<2x512x64xf32, #tpu.memory_space<vmem>> -> memref<1x512x64xf32, #tpu.memory_space<vmem>>
          %dma_wait3A_326 = tpu.memref_squeeze %dma_wait3A_325 : memref<1x512x64xf32, #tpu.memory_space<vmem>> -> memref<512x64xf32, #tpu.memory_space<vmem>>
          tpu.wait_dma2 semaphore(%arg12 : memref<!tpu.dma_semaphore, #tpu.memory_space<semaphore_mem>>) src(%dma_wait3A_326 : memref<512x64xf32, #tpu.memory_space<vmem>>) dst(%dma_wait3A_322 : memref<512x64xf32, #tpu.memory_space<hbm>>)
        } else {
        }
        %add3A_256 = arith.constant 1 : i32
        %add3A_257 = arith.addi %add3A_81, %add3A_256 : i32
        %mul3A_258 = arith.constant 512 : i32
        %mul3A_259 = arith.muli %add3A_257, %mul3A_258 : i32
        %add3A_260 = arith.constant 0 : i32
        %add3A_261 = arith.addi %mul3A_259, %add3A_260 : i32
        %dma_start3A_262 = arith.constant 1 : i32
        %dma_start3A_263 = arith.constant 0 : i32
        %dma_start3A_264 = arith.constant 0 : i32
        %dma_start3A_265 = tpu.memref_slice %arg7[%dma_start3A_262, %dma_start3A_263, %dma_start3A_264] : memref<2x512x64xf32, #tpu.memory_space<vmem>> -> memref<1x128x64xf32, #tpu.memory_space<vmem>>
        %dma_start3A_266 = tpu.memref_squeeze %dma_start3A_265 : memref<1x128x64xf32, #tpu.memory_space<vmem>> -> memref<128x64xf32, #tpu.memory_space<vmem>>
        %dma_start3A_267 = tpu.memref_slice %arg6[%add3A_261] : memref<25600xi32, #tpu.memory_space<vmem>> -> memref<128xi32, #tpu.memory_space<vmem>>
        %dma_start3A_268 = arith.constant 0 : i32
        %dma_start3A_269 = arith.constant 0 : i32
        %dma_start3A_270 = tpu.memref_slice %arg3[%dma_start3A_268, %dma_start3A_269] : memref<1000000x64xf32, #tpu.memory_space<hbm>> -> memref<1000000x64xf32, #tpu.memory_space<hbm>>
        tpu.enqueue_indirect_dma source(%dma_start3A_270 : memref<1000000x64xf32, #tpu.memory_space<hbm>>) target(%dma_start3A_266 : memref<128x64xf32, #tpu.memory_space<vmem>>) offsets(%dma_start3A_267 : memref<128xi32, #tpu.memory_space<vmem>>) semaphore(%arg10 : memref<!tpu.dma_semaphore, #tpu.memory_space<semaphore_mem>>)
        %mul3A_271 = arith.constant 512 : i32
        %mul3A_272 = arith.muli %add3A_257, %mul3A_271 : i32
        %add3A_273 = arith.constant 128 : i32
        %add3A_274 = arith.addi %mul3A_272, %add3A_273 : i32
        %dma_start3A_275 = arith.constant 1 : i32
        %dma_start3A_276 = arith.constant 128 : i32
        %dma_start3A_277 = arith.constant 0 : i32
        %dma_start3A_278 = tpu.memref_slice %arg7[%dma_start3A_275, %dma_start3A_276, %dma_start3A_277] : memref<2x512x64xf32, #tpu.memory_space<vmem>> -> memref<1x128x64xf32, #tpu.memory_space<vmem>>
        %dma_start3A_279 = tpu.memref_squeeze %dma_start3A_278 : memref<1x128x64xf32, #tpu.memory_space<vmem>> -> memref<128x64xf32, #tpu.memory_space<vmem>>
        %dma_start3A_280 = tpu.memref_slice %arg6[%add3A_274] : memref<25600xi32, #tpu.memory_space<vmem>> -> memref<128xi32, #tpu.memory_space<vmem>>
        %dma_start3A_281 = arith.constant 0 : i32
        %dma_start3A_282 = arith.constant 0 : i32
        %dma_start3A_283 = tpu.memref_slice %arg3[%dma_start3A_281, %dma_start3A_282] : memref<1000000x64xf32, #tpu.memory_space<hbm>> -> memref<1000000x64xf32, #tpu.memory_space<hbm>>
        tpu.enqueue_indirect_dma source(%dma_start3A_283 : memref<1000000x64xf32, #tpu.memory_space<hbm>>) target(%dma_start3A_279 : memref<128x64xf32, #tpu.memory_space<vmem>>) offsets(%dma_start3A_280 : memref<128xi32, #tpu.memory_space<vmem>>) semaphore(%arg10 : memref<!tpu.dma_semaphore, #tpu.memory_space<semaphore_mem>>)
        %mul3A_284 = arith.constant 512 : i32
        %mul3A_285 = arith.muli %add3A_257, %mul3A_284 : i32
        %add3A_286 = arith.constant 256 : i32
        %add3A_287 = arith.addi %mul3A_285, %add3A_286 : i32
        %dma_start3A_288 = arith.constant 1 : i32
        %dma_start3A_289 = arith.constant 256 : i32
        %dma_start3A_290 = arith.constant 0 : i32
        %dma_start3A_291 = tpu.memref_slice %arg7[%dma_start3A_288, %dma_start3A_289, %dma_start3A_290] : memref<2x512x64xf32, #tpu.memory_space<vmem>> -> memref<1x128x64xf32, #tpu.memory_space<vmem>>
        %dma_start3A_292 = tpu.memref_squeeze %dma_start3A_291 : memref<1x128x64xf32, #tpu.memory_space<vmem>> -> memref<128x64xf32, #tpu.memory_space<vmem>>
        %dma_start3A_293 = tpu.memref_slice %arg6[%add3A_287] : memref<25600xi32, #tpu.memory_space<vmem>> -> memref<128xi32, #tpu.memory_space<vmem>>
        %dma_start3A_294 = arith.constant 0 : i32
        %dma_start3A_295 = arith.constant 0 : i32
        %dma_start3A_296 = tpu.memref_slice %arg3[%dma_start3A_294, %dma_start3A_295] : memref<1000000x64xf32, #tpu.memory_space<hbm>> -> memref<1000000x64xf32, #tpu.memory_space<hbm>>
        tpu.enqueue_indirect_dma source(%dma_start3A_296 : memref<1000000x64xf32, #tpu.memory_space<hbm>>) target(%dma_start3A_292 : memref<128x64xf32, #tpu.memory_space<vmem>>) offsets(%dma_start3A_293 : memref<128xi32, #tpu.memory_space<vmem>>) semaphore(%arg10 : memref<!tpu.dma_semaphore, #tpu.memory_space<semaphore_mem>>)
        %mul3A_297 = arith.constant 512 : i32
        %mul3A_298 = arith.muli %add3A_257, %mul3A_297 : i32
        %add3A_299 = arith.constant 384 : i32
        %add3A_300 = arith.addi %mul3A_298, %add3A_299 : i32
        %dma_start3A_301 = arith.constant 1 : i32
        %dma_start3A_302 = arith.constant 384 : i32
        %dma_start3A_303 = arith.constant 0 : i32
        %dma_start3A_304 = tpu.memref_slice %arg7[%dma_start3A_301, %dma_start3A_302, %dma_start3A_303] : memref<2x512x64xf32, #tpu.memory_space<vmem>> -> memref<1x128x64xf32, #tpu.memory_space<vmem>>
        %dma_start3A_305 = tpu.memref_squeeze %dma_start3A_304 : memref<1x128x64xf32, #tpu.memory_space<vmem>> -> memref<128x64xf32, #tpu.memory_space<vmem>>
        %dma_start3A_306 = tpu.memref_slice %arg6[%add3A_300] : memref<25600xi32, #tpu.memory_space<vmem>> -> memref<128xi32, #tpu.memory_space<vmem>>
        %dma_start3A_307 = arith.constant 0 : i32
        %dma_start3A_308 = arith.constant 0 : i32
        %dma_start3A_309 = tpu.memref_slice %arg3[%dma_start3A_307, %dma_start3A_308] : memref<1000000x64xf32, #tpu.memory_space<hbm>> -> memref<1000000x64xf32, #tpu.memory_space<hbm>>
        tpu.enqueue_indirect_dma source(%dma_start3A_309 : memref<1000000x64xf32, #tpu.memory_space<hbm>>) target(%dma_start3A_305 : memref<128x64xf32, #tpu.memory_space<vmem>>) offsets(%dma_start3A_306 : memref<128xi32, #tpu.memory_space<vmem>>) semaphore(%arg10 : memref<!tpu.dma_semaphore, #tpu.memory_space<semaphore_mem>>)
      } else {
      }
      %mul3A_86 = arith.constant 512 : i32
      %mul3A_87 = arith.muli %add3A_81, %mul3A_86 : i32
      %add3A_88 = arith.constant 0 : i32
      %add3A_89 = arith.addi %mul3A_87, %add3A_88 : i32
      %dma_wait3A_90 = arith.constant 0 : i32
      %dma_wait3A_91 = arith.constant 0 : i32
      %dma_wait3A_92 = arith.constant 0 : i32
      %dma_wait3A_93 = tpu.memref_slice %arg7[%dma_wait3A_90, %dma_wait3A_91, %dma_wait3A_92] : memref<2x512x64xf32, #tpu.memory_space<vmem>> -> memref<1x128x64xf32, #tpu.memory_space<vmem>>
      %dma_wait3A_94 = tpu.memref_squeeze %dma_wait3A_93 : memref<1x128x64xf32, #tpu.memory_space<vmem>> -> memref<128x64xf32, #tpu.memory_space<vmem>>
      %dma_wait3A_95 = tpu.memref_slice %arg6[%add3A_89] : memref<25600xi32, #tpu.memory_space<vmem>> -> memref<128xi32, #tpu.memory_space<vmem>>
      %dma_wait3A_96 = arith.constant 0 : i32
      %dma_wait3A_97 = arith.constant 0 : i32
      %dma_wait3A_98 = tpu.memref_slice %arg3[%dma_wait3A_96, %dma_wait3A_97] : memref<1000000x64xf32, #tpu.memory_space<hbm>> -> memref<1000000x64xf32, #tpu.memory_space<hbm>>
      tpu.wait_indirect_dma semaphore(%arg9 : memref<!tpu.dma_semaphore, #tpu.memory_space<semaphore_mem>>) src(%dma_wait3A_98 : memref<1000000x64xf32, #tpu.memory_space<hbm>>) dst(%dma_wait3A_94 : memref<128x64xf32, #tpu.memory_space<vmem>>)
      %mul3A_99 = arith.constant 512 : i32
      %mul3A_100 = arith.muli %add3A_81, %mul3A_99 : i32
      %add3A_101 = arith.constant 128 : i32
      %add3A_102 = arith.addi %mul3A_100, %add3A_101 : i32
      %dma_wait3A_103 = arith.constant 0 : i32
      %dma_wait3A_104 = arith.constant 128 : i32
      %dma_wait3A_105 = arith.constant 0 : i32
      %dma_wait3A_106 = tpu.memref_slice %arg7[%dma_wait3A_103, %dma_wait3A_104, %dma_wait3A_105] : memref<2x512x64xf32, #tpu.memory_space<vmem>> -> memref<1x128x64xf32, #tpu.memory_space<vmem>>
      %dma_wait3A_107 = tpu.memref_squeeze %dma_wait3A_106 : memref<1x128x64xf32, #tpu.memory_space<vmem>> -> memref<128x64xf32, #tpu.memory_space<vmem>>
      %dma_wait3A_108 = tpu.memref_slice %arg6[%add3A_102] : memref<25600xi32, #tpu.memory_space<vmem>> -> memref<128xi32, #tpu.memory_space<vmem>>
      %dma_wait3A_109 = arith.constant 0 : i32
      %dma_wait3A_110 = arith.constant 0 : i32
      %dma_wait3A_111 = tpu.memref_slice %arg3[%dma_wait3A_109, %dma_wait3A_110] : memref<1000000x64xf32, #tpu.memory_space<hbm>> -> memref<1000000x64xf32, #tpu.memory_space<hbm>>
      tpu.wait_indirect_dma semaphore(%arg9 : memref<!tpu.dma_semaphore, #tpu.memory_space<semaphore_mem>>) src(%dma_wait3A_111 : memref<1000000x64xf32, #tpu.memory_space<hbm>>) dst(%dma_wait3A_107 : memref<128x64xf32, #tpu.memory_space<vmem>>)
      %mul3A_112 = arith.constant 512 : i32
      %mul3A_113 = arith.muli %add3A_81, %mul3A_112 : i32
      %add3A_114 = arith.constant 256 : i32
      %add3A_115 = arith.addi %mul3A_113, %add3A_114 : i32
      %dma_wait3A_116 = arith.constant 0 : i32
      %dma_wait3A_117 = arith.constant 256 : i32
      %dma_wait3A_118 = arith.constant 0 : i32
      %dma_wait3A_119 = tpu.memref_slice %arg7[%dma_wait3A_116, %dma_wait3A_117, %dma_wait3A_118] : memref<2x512x64xf32, #tpu.memory_space<vmem>> -> memref<1x128x64xf32, #tpu.memory_space<vmem>>
      %dma_wait3A_120 = tpu.memref_squeeze %dma_wait3A_119 : memref<1x128x64xf32, #tpu.memory_space<vmem>> -> memref<128x64xf32, #tpu.memory_space<vmem>>
      %dma_wait3A_121 = tpu.memref_slice %arg6[%add3A_115] : memref<25600xi32, #tpu.memory_space<vmem>> -> memref<128xi32, #tpu.memory_space<vmem>>
      %dma_wait3A_122 = arith.constant 0 : i32
      %dma_wait3A_123 = arith.constant 0 : i32
      %dma_wait3A_124 = tpu.memref_slice %arg3[%dma_wait3A_122, %dma_wait3A_123] : memref<1000000x64xf32, #tpu.memory_space<hbm>> -> memref<1000000x64xf32, #tpu.memory_space<hbm>>
      tpu.wait_indirect_dma semaphore(%arg9 : memref<!tpu.dma_semaphore, #tpu.memory_space<semaphore_mem>>) src(%dma_wait3A_124 : memref<1000000x64xf32, #tpu.memory_space<hbm>>) dst(%dma_wait3A_120 : memref<128x64xf32, #tpu.memory_space<vmem>>)
      %mul3A_125 = arith.constant 512 : i32
      %mul3A_126 = arith.muli %add3A_81, %mul3A_125 : i32
      %add3A_127 = arith.constant 384 : i32
      %add3A_128 = arith.addi %mul3A_126, %add3A_127 : i32
      %dma_wait3A_129 = arith.constant 0 : i32
      %dma_wait3A_130 = arith.constant 384 : i32
      %dma_wait3A_131 = arith.constant 0 : i32
      %dma_wait3A_132 = tpu.memref_slice %arg7[%dma_wait3A_129, %dma_wait3A_130, %dma_wait3A_131] : memref<2x512x64xf32, #tpu.memory_space<vmem>> -> memref<1x128x64xf32, #tpu.memory_space<vmem>>
      %dma_wait3A_133 = tpu.memref_squeeze %dma_wait3A_132 : memref<1x128x64xf32, #tpu.memory_space<vmem>> -> memref<128x64xf32, #tpu.memory_space<vmem>>
      %dma_wait3A_134 = tpu.memref_slice %arg6[%add3A_128] : memref<25600xi32, #tpu.memory_space<vmem>> -> memref<128xi32, #tpu.memory_space<vmem>>
      %dma_wait3A_135 = arith.constant 0 : i32
      %dma_wait3A_136 = arith.constant 0 : i32
      %dma_wait3A_137 = tpu.memref_slice %arg3[%dma_wait3A_135, %dma_wait3A_136] : memref<1000000x64xf32, #tpu.memory_space<hbm>> -> memref<1000000x64xf32, #tpu.memory_space<hbm>>
      tpu.wait_indirect_dma semaphore(%arg9 : memref<!tpu.dma_semaphore, #tpu.memory_space<semaphore_mem>>) src(%dma_wait3A_137 : memref<1000000x64xf32, #tpu.memory_space<hbm>>) dst(%dma_wait3A_133 : memref<128x64xf32, #tpu.memory_space<vmem>>)
      %mul3A_138 = arith.constant 512 : i32
      %mul3A_139 = arith.muli %add3A_81, %mul3A_138 : i32
      %rem3A = arith.constant 200 : i32
      %rem3A_140 = arith.remsi %mul3A_139, %rem3A : i32
      %scan3A_141 = arith.constant 0 : i32
      %scan3A_142 = arith.constant 0 : i32
      %scan3A_143 = arith.constant 512 : i32
      %scan3A_144 = arith.addi %scan3A_142, %scan3A_143 : i32
      %scan3A_145 = arith.constant 1 : i32
      %scan3A_146 = scf.for %scan3A_252 = %scan3A_142 to %scan3A_144 step %scan3A_145 iter_args(%scan3A_253 = %scan3A_141) -> (i32)  : i32 {
        %add3A_254 = arith.addi %rem3A_140, %scan3A_252 : i32
        %rem3A_255 = arith.constant 200 : i32
        %rem3A_256 = arith.remsi %add3A_254, %rem3A_255 : i32
        %get3A = arith.constant 0 : i32
        %get3A_257 = arith.index_cast %get3A : i32 to index
        %get3A_258 = arith.index_cast %scan3A_252 : i32 to index
        %get3A_259 = arith.constant 0 : index
        %get3A_260 = tpu.vector_load %arg7[%get3A_257, %get3A_258, %get3A_259] {strides = array<i32>} : memref<2x512x64xf32, #tpu.memory_space<vmem>>, vector<1x1x16xf32>,
        %get3A_261 = vector.shape_cast %get3A_260 : vector<1x1x16xf32> to vector<16xf32>
        %mul3A_262 = arith.constant 8.000000e+00 : f32
        %mul3A_263 = vector.broadcast %mul3A_262 : f32 to vector<16xf32>
        %mul3A_264 = arith.mulf %get3A_261, %mul3A_263 : vector<16xf32>
        %get3A_265 = arith.index_cast %rem3A_256 : i32 to index
        %get3A_266 = arith.constant 0 : index
        %get3A_267 = tpu.vector_load %arg8[%get3A_265, %get3A_266] {strides = array<i32>} : memref<200x64xf32, #tpu.memory_space<vmem>>, vector<1x16xf32>,
        %get3A_268 = vector.shape_cast %get3A_267 : vector<1x16xf32> to vector<16xf32>
        %add3A_269 = arith.addf %mul3A_264, %get3A_268 : vector<16xf32>
        %swap3A = arith.constant 0 : i32
        %swap3A_270 = arith.index_cast %swap3A : i32 to index
        %swap3A_271 = arith.index_cast %scan3A_252 : i32 to index
        %swap3A_272 = arith.constant 0 : index
        %swap3A_273 = tpu.vector_load %arg7[%swap3A_270, %swap3A_271, %swap3A_272] {strides = array<i32>} : memref<2x512x64xf32, #tpu.memory_space<vmem>>, vector<1x1x16xf32>,
        %swap3A_274 = vector.shape_cast %swap3A_273 : vector<1x1x16xf32> to vector<16xf32>
        %swap3A_275 = vector.shape_cast %add3A_269 : vector<16xf32> to vector<1x1x16xf32>
        tpu.vector_store %arg7[%swap3A_270, %swap3A_271, %swap3A_272], %swap3A_275 {strides = array<i32>} : memref<2x512x64xf32, #tpu.memory_space<vmem>>, vector<1x1x16xf32>,
        %get3A_276 = arith.constant 0 : i32
        %get3A_277 = arith.index_cast %get3A_276 : i32 to index
        %get3A_278 = arith.index_cast %scan3A_252 : i32 to index
        %get3A_279 = arith.constant 16 : index
        %get3A_280 = tpu.vector_load %arg7[%get3A_277, %get3A_278, %get3A_279] {strides = array<i32>} : memref<2x512x64xf32, #tpu.memory_space<vmem>>, vector<1x1x16xf32>,
        %get3A_281 = vector.shape_cast %get3A_280 : vector<1x1x16xf32> to vector<16xf32>
        %mul3A_282 = arith.constant 8.000000e+00 : f32
        %mul3A_283 = vector.broadcast %mul3A_282 : f32 to vector<16xf32>
        %mul3A_284 = arith.mulf %get3A_281, %mul3A_283 : vector<16xf32>
        %get3A_285 = arith.index_cast %rem3A_256 : i32 to index
        %get3A_286 = arith.constant 16 : index
        %get3A_287 = tpu.vector_load %arg8[%get3A_285, %get3A_286] {strides = array<i32>} : memref<200x64xf32, #tpu.memory_space<vmem>>, vector<1x16xf32>,
        %get3A_288 = vector.shape_cast %get3A_287 : vector<1x16xf32> to vector<16xf32>
        %add3A_289 = arith.addf %mul3A_284, %get3A_288 : vector<16xf32>
        %swap3A_290 = arith.constant 0 : i32
        %swap3A_291 = arith.index_cast %swap3A_290 : i32 to index
        %swap3A_292 = arith.index_cast %scan3A_252 : i32 to index
        %swap3A_293 = arith.constant 16 : index
        %swap3A_294 = tpu.vector_load %arg7[%swap3A_291, %swap3A_292, %swap3A_293] {strides = array<i32>} : memref<2x512x64xf32, #tpu.memory_space<vmem>>, vector<1x1x16xf32>,
        %swap3A_295 = vector.shape_cast %swap3A_294 : vector<1x1x16xf32> to vector<16xf32>
        %swap3A_296 = vector.shape_cast %add3A_289 : vector<16xf32> to vector<1x1x16xf32>
        tpu.vector_store %arg7[%swap3A_291, %swap3A_292, %swap3A_293], %swap3A_296 {strides = array<i32>} : memref<2x512x64xf32, #tpu.memory_space<vmem>>, vector<1x1x16xf32>,
        %get3A_297 = arith.constant 0 : i32
        %get3A_298 = arith.index_cast %get3A_297 : i32 to index
        %get3A_299 = arith.index_cast %scan3A_252 : i32 to index
        %get3A_300 = arith.constant 32 : index
        %get3A_301 = tpu.vector_load %arg7[%get3A_298, %get3A_299, %get3A_300] {strides = array<i32>} : memref<2x512x64xf32, #tpu.memory_space<vmem>>, vector<1x1x16xf32>,
        %get3A_302 = vector.shape_cast %get3A_301 : vector<1x1x16xf32> to vector<16xf32>
        %mul3A_303 = arith.constant 8.000000e+00 : f32
        %mul3A_304 = vector.broadcast %mul3A_303 : f32 to vector<16xf32>
        %mul3A_305 = arith.mulf %get3A_302, %mul3A_304 : vector<16xf32>
        %get3A_306 = arith.index_cast %rem3A_256 : i32 to index
        %get3A_307 = arith.constant 32 : index
        %get3A_308 = tpu.vector_load %arg8[%get3A_306, %get3A_307] {strides = array<i32>} : memref<200x64xf32, #tpu.memory_space<vmem>>, vector<1x16xf32>,
        %get3A_309 = vector.shape_cast %get3A_308 : vector<1x16xf32> to vector<16xf32>
        %add3A_310 = arith.addf %mul3A_305, %get3A_309 : vector<16xf32>
        %swap3A_311 = arith.constant 0 : i32
        %swap3A_312 = arith.index_cast %swap3A_311 : i32 to index
        %swap3A_313 = arith.index_cast %scan3A_252 : i32 to index
        %swap3A_314 = arith.constant 32 : index
        %swap3A_315 = tpu.vector_load %arg7[%swap3A_312, %swap3A_313, %swap3A_314] {strides = array<i32>} : memref<2x512x64xf32, #tpu.memory_space<vmem>>, vector<1x1x16xf32>,
        %swap3A_316 = vector.shape_cast %swap3A_315 : vector<1x1x16xf32> to vector<16xf32>
        %swap3A_317 = vector.shape_cast %add3A_310 : vector<16xf32> to vector<1x1x16xf32>
        tpu.vector_store %arg7[%swap3A_312, %swap3A_313, %swap3A_314], %swap3A_317 {strides = array<i32>} : memref<2x512x64xf32, #tpu.memory_space<vmem>>, vector<1x1x16xf32>,
        %get3A_318 = arith.constant 0 : i32
        %get3A_319 = arith.index_cast %get3A_318 : i32 to index
        %get3A_320 = arith.index_cast %scan3A_252 : i32 to index
        %get3A_321 = arith.constant 48 : index
        %get3A_322 = tpu.vector_load %arg7[%get3A_319, %get3A_320, %get3A_321] {strides = array<i32>} : memref<2x512x64xf32, #tpu.memory_space<vmem>>, vector<1x1x16xf32>,
        %get3A_323 = vector.shape_cast %get3A_322 : vector<1x1x16xf32> to vector<16xf32>
        %mul3A_324 = arith.constant 8.000000e+00 : f32
        %mul3A_325 = vector.broadcast %mul3A_324 : f32 to vector<16xf32>
        %mul3A_326 = arith.mulf %get3A_323, %mul3A_325 : vector<16xf32>
        %get3A_327 = arith.index_cast %rem3A_256 : i32 to index
        %get3A_328 = arith.constant 48 : index
        %get3A_329 = tpu.vector_load %arg8[%get3A_327, %get3A_328] {strides = array<i32>} : memref<200x64xf32, #tpu.memory_space<vmem>>, vector<1x16xf32>,
        %get3A_330 = vector.shape_cast %get3A_329 : vector<1x16xf32> to vector<16xf32>
        %add3A_331 = arith.addf %mul3A_326, %get3A_330 : vector<16xf32>
        %swap3A_332 = arith.constant 0 : i32
        %swap3A_333 = arith.index_cast %swap3A_332 : i32 to index
        %swap3A_334 = arith.index_cast %scan3A_252 : i32 to index
        %swap3A_335 = arith.constant 48 : index
        %swap3A_336 = tpu.vector_load %arg7[%swap3A_333, %swap3A_334, %swap3A_335] {strides = array<i32>} : memref<2x512x64xf32, #tpu.memory_space<vmem>>, vector<1x1x16xf32>,
        %swap3A_337 = vector.shape_cast %swap3A_336 : vector<1x1x16xf32> to vector<16xf32>
        %swap3A_338 = vector.shape_cast %add3A_331 : vector<16xf32> to vector<1x1x16xf32>
        tpu.vector_store %arg7[%swap3A_333, %swap3A_334, %swap3A_335], %swap3A_338 {strides = array<i32>} : memref<2x512x64xf32, #tpu.memory_space<vmem>>, vector<1x1x16xf32>,
        %scan3A_339 = arith.constant 0 : i32
        scf.yield %scan3A_339 : i32
      }
      %scan3A_147 = arith.constant 512 : i32
      %mul3A_148 = arith.constant 512 : i32
      %mul3A_149 = arith.muli %add3A_81, %mul3A_148 : i32
      %add3A_150 = arith.addi %mul3A_2, %mul3A_149 : i32
      %dma_start3A_151 = arith.constant 0 : i32
      %dma_start3A_152 = arith.constant 0 : i32
      %dma_start3A_153 = arith.constant 0 : i32
      %dma_start3A_154 = tpu.memref_slice %arg7[%dma_start3A_151, %dma_start3A_152, %dma_start3A_153] : memref<2x512x64xf32, #tpu.memory_space<vmem>> -> memref<1x512x64xf32, #tpu.memory_space<vmem>>
      %dma_start3A_155 = tpu.memref_squeeze %dma_start3A_154 : memref<1x512x64xf32, #tpu.memory_space<vmem>> -> memref<512x64xf32, #tpu.memory_space<vmem>>
      %dma_start3A_156 = arith.constant 0 : i32
      %dma_start3A_157 = tpu.memref_slice %arg5[%add3A_150, %dma_start3A_156] : memref<819200x64xf32, #tpu.memory_space<hbm>> -> memref<512x64xf32, #tpu.memory_space<hbm>>
      %dma_start3A_158 = arith.constant 0 : i32
      %dma_start3A_159 = tpu.memref_slice %arg5[%add3A_150, %dma_start3A_158] : memref<819200x64xf32, #tpu.memory_space<hbm>> -> memref<512x64xf32, #tpu.memory_space<hbm>>
      %dma_start3A_160 = arith.constant 0 : i32
      %dma_start3A_161 = arith.constant 0 : i32
      %dma_start3A_162 = tpu.memref_slice %arg7[%dma_start3A_151, %dma_start3A_160, %dma_start3A_161] : memref<2x512x64xf32, #tpu.memory_space<vmem>> -> memref<1x512x64xf32, #tpu.memory_space<vmem>>
      %dma_start3A_163 = tpu.memref_squeeze %dma_start3A_162 : memref<1x512x64xf32, #tpu.memory_space<vmem>> -> memref<512x64xf32, #tpu.memory_space<vmem>>
      tpu.enqueue_dma source(%dma_start3A_163 : memref<512x64xf32, #tpu.memory_space<vmem>>) target(%dma_start3A_159 : memref<512x64xf32, #tpu.memory_space<hbm>>) target_semaphore(%arg11 : memref<!tpu.dma_semaphore, #tpu.memory_space<semaphore_mem>>)
      %add3A_164 = arith.constant 1 : i32
      %add3A_165 = arith.addi %add3A_79, %add3A_164 : i32
      %add3A_166 = arith.constant 1 : i32
      %add3A_167 = arith.addi %add3A_165, %add3A_166 : i32
      %lt3A_168 = arith.constant 50 : i32
      %lt3A_169 = arith.cmpi slt, %add3A_167, %lt3A_168 : i32
      %convert_element_type3A_170 = arith.extui %lt3A_169 : i1 to i32
      %cond3A_171 = arith.constant 0 : i32
      %cond3A_172 = arith.cmpi ne, %convert_element_type3A_170, %cond3A_171 : i32
      scf.if %cond3A_172 {
        %ge3A = arith.constant 1 : i32
        %ge3A_252 = arith.cmpi sge, %add3A_165, %ge3A : i32
        %convert_element_type3A_253 = arith.extui %ge3A_252 : i1 to i32
        %cond3A_254 = arith.constant 0 : i32
        %cond3A_255 = arith.cmpi ne, %convert_element_type3A_253, %cond3A_254 : i32
        scf.if %cond3A_255 {
          %sub3A = arith.constant 1 : i32
          %sub3A_310 = arith.subi %add3A_165, %sub3A : i32
          %mul3A_311 = arith.constant 512 : i32
          %mul3A_312 = arith.muli %sub3A_310, %mul3A_311 : i32
          %add3A_313 = arith.addi %mul3A_2, %mul3A_312 : i32
          %dma_wait3A_314 = arith.constant 0 : i32
          %dma_wait3A_315 = arith.constant 0 : i32
          %dma_wait3A_316 = arith.constant 0 : i32
          %dma_wait3A_317 = tpu.memref_slice %arg7[%dma_wait3A_314, %dma_wait3A_315, %dma_wait3A_316] : memref<2x512x64xf32, #tpu.memory_space<vmem>> -> memref<1x512x64xf32, #tpu.memory_space<vmem>>
          %dma_wait3A_318 = tpu.memref_squeeze %dma_wait3A_317 : memref<1x512x64xf32, #tpu.memory_space<vmem>> -> memref<512x64xf32, #tpu.memory_space<vmem>>
          %dma_wait3A_319 = arith.constant 0 : i32
          %dma_wait3A_320 = tpu.memref_slice %arg5[%add3A_313, %dma_wait3A_319] : memref<819200x64xf32, #tpu.memory_space<hbm>> -> memref<512x64xf32, #tpu.memory_space<hbm>>
          %dma_wait3A_321 = arith.constant 0 : i32
          %dma_wait3A_322 = tpu.memref_slice %arg5[%add3A_313, %dma_wait3A_321] : memref<819200x64xf32, #tpu.memory_space<hbm>> -> memref<512x64xf32, #tpu.memory_space<hbm>>
          %dma_wait3A_323 = arith.constant 0 : i32
          %dma_wait3A_324 = arith.constant 0 : i32
          %dma_wait3A_325 = tpu.memref_slice %arg7[%dma_wait3A_314, %dma_wait3A_323, %dma_wait3A_324] : memref<2x512x64xf32, #tpu.memory_space<vmem>> -> memref<1x512x64xf32, #tpu.memory_space<vmem>>
          %dma_wait3A_326 = tpu.memref_squeeze %dma_wait3A_325 : memref<1x512x64xf32, #tpu.memory_space<vmem>> -> memref<512x64xf32, #tpu.memory_space<vmem>>
          tpu.wait_dma2 semaphore(%arg11 : memref<!tpu.dma_semaphore, #tpu.memory_space<semaphore_mem>>) src(%dma_wait3A_326 : memref<512x64xf32, #tpu.memory_space<vmem>>) dst(%dma_wait3A_322 : memref<512x64xf32, #tpu.memory_space<hbm>>)
        } else {
        }
        %add3A_256 = arith.constant 1 : i32
        %add3A_257 = arith.addi %add3A_165, %add3A_256 : i32
        %mul3A_258 = arith.constant 512 : i32
        %mul3A_259 = arith.muli %add3A_257, %mul3A_258 : i32
        %add3A_260 = arith.constant 0 : i32
        %add3A_261 = arith.addi %mul3A_259, %add3A_260 : i32
        %dma_start3A_262 = arith.constant 0 : i32
        %dma_start3A_263 = arith.constant 0 : i32
        %dma_start3A_264 = arith.constant 0 : i32
        %dma_start3A_265 = tpu.memref_slice %arg7[%dma_start3A_262, %dma_start3A_263, %dma_start3A_264] : memref<2x512x64xf32, #tpu.memory_space<vmem>> -> memref<1x128x64xf32, #tpu.memory_space<vmem>>
        %dma_start3A_266 = tpu.memref_squeeze %dma_start3A_265 : memref<1x128x64xf32, #tpu.memory_space<vmem>> -> memref<128x64xf32, #tpu.memory_space<vmem>>
        %dma_start3A_267 = tpu.memref_slice %arg6[%add3A_261] : memref<25600xi32, #tpu.memory_space<vmem>> -> memref<128xi32, #tpu.memory_space<vmem>>
        %dma_start3A_268 = arith.constant 0 : i32
        %dma_start3A_269 = arith.constant 0 : i32
        %dma_start3A_270 = tpu.memref_slice %arg3[%dma_start3A_268, %dma_start3A_269] : memref<1000000x64xf32, #tpu.memory_space<hbm>> -> memref<1000000x64xf32, #tpu.memory_space<hbm>>
        tpu.enqueue_indirect_dma source(%dma_start3A_270 : memref<1000000x64xf32, #tpu.memory_space<hbm>>) target(%dma_start3A_266 : memref<128x64xf32, #tpu.memory_space<vmem>>) offsets(%dma_start3A_267 : memref<128xi32, #tpu.memory_space<vmem>>) semaphore(%arg9 : memref<!tpu.dma_semaphore, #tpu.memory_space<semaphore_mem>>)
        %mul3A_271 = arith.constant 512 : i32
        %mul3A_272 = arith.muli %add3A_257, %mul3A_271 : i32
        %add3A_273 = arith.constant 128 : i32
        %add3A_274 = arith.addi %mul3A_272, %add3A_273 : i32
        %dma_start3A_275 = arith.constant 0 : i32
        %dma_start3A_276 = arith.constant 128 : i32
        %dma_start3A_277 = arith.constant 0 : i32
        %dma_start3A_278 = tpu.memref_slice %arg7[%dma_start3A_275, %dma_start3A_276, %dma_start3A_277] : memref<2x512x64xf32, #tpu.memory_space<vmem>> -> memref<1x128x64xf32, #tpu.memory_space<vmem>>
        %dma_start3A_279 = tpu.memref_squeeze %dma_start3A_278 : memref<1x128x64xf32, #tpu.memory_space<vmem>> -> memref<128x64xf32, #tpu.memory_space<vmem>>
        %dma_start3A_280 = tpu.memref_slice %arg6[%add3A_274] : memref<25600xi32, #tpu.memory_space<vmem>> -> memref<128xi32, #tpu.memory_space<vmem>>
        %dma_start3A_281 = arith.constant 0 : i32
        %dma_start3A_282 = arith.constant 0 : i32
        %dma_start3A_283 = tpu.memref_slice %arg3[%dma_start3A_281, %dma_start3A_282] : memref<1000000x64xf32, #tpu.memory_space<hbm>> -> memref<1000000x64xf32, #tpu.memory_space<hbm>>
        tpu.enqueue_indirect_dma source(%dma_start3A_283 : memref<1000000x64xf32, #tpu.memory_space<hbm>>) target(%dma_start3A_279 : memref<128x64xf32, #tpu.memory_space<vmem>>) offsets(%dma_start3A_280 : memref<128xi32, #tpu.memory_space<vmem>>) semaphore(%arg9 : memref<!tpu.dma_semaphore, #tpu.memory_space<semaphore_mem>>)
        %mul3A_284 = arith.constant 512 : i32
        %mul3A_285 = arith.muli %add3A_257, %mul3A_284 : i32
        %add3A_286 = arith.constant 256 : i32
        %add3A_287 = arith.addi %mul3A_285, %add3A_286 : i32
        %dma_start3A_288 = arith.constant 0 : i32
        %dma_start3A_289 = arith.constant 256 : i32
        %dma_start3A_290 = arith.constant 0 : i32
        %dma_start3A_291 = tpu.memref_slice %arg7[%dma_start3A_288, %dma_start3A_289, %dma_start3A_290] : memref<2x512x64xf32, #tpu.memory_space<vmem>> -> memref<1x128x64xf32, #tpu.memory_space<vmem>>
        %dma_start3A_292 = tpu.memref_squeeze %dma_start3A_291 : memref<1x128x64xf32, #tpu.memory_space<vmem>> -> memref<128x64xf32, #tpu.memory_space<vmem>>
        %dma_start3A_293 = tpu.memref_slice %arg6[%add3A_287] : memref<25600xi32, #tpu.memory_space<vmem>> -> memref<128xi32, #tpu.memory_space<vmem>>
        %dma_start3A_294 = arith.constant 0 : i32
        %dma_start3A_295 = arith.constant 0 : i32
        %dma_start3A_296 = tpu.memref_slice %arg3[%dma_start3A_294, %dma_start3A_295] : memref<1000000x64xf32, #tpu.memory_space<hbm>> -> memref<1000000x64xf32, #tpu.memory_space<hbm>>
        tpu.enqueue_indirect_dma source(%dma_start3A_296 : memref<1000000x64xf32, #tpu.memory_space<hbm>>) target(%dma_start3A_292 : memref<128x64xf32, #tpu.memory_space<vmem>>) offsets(%dma_start3A_293 : memref<128xi32, #tpu.memory_space<vmem>>) semaphore(%arg9 : memref<!tpu.dma_semaphore, #tpu.memory_space<semaphore_mem>>)
        %mul3A_297 = arith.constant 512 : i32
        %mul3A_298 = arith.muli %add3A_257, %mul3A_297 : i32
        %add3A_299 = arith.constant 384 : i32
        %add3A_300 = arith.addi %mul3A_298, %add3A_299 : i32
        %dma_start3A_301 = arith.constant 0 : i32
        %dma_start3A_302 = arith.constant 384 : i32
        %dma_start3A_303 = arith.constant 0 : i32
        %dma_start3A_304 = tpu.memref_slice %arg7[%dma_start3A_301, %dma_start3A_302, %dma_start3A_303] : memref<2x512x64xf32, #tpu.memory_space<vmem>> -> memref<1x128x64xf32, #tpu.memory_space<vmem>>
        %dma_start3A_305 = tpu.memref_squeeze %dma_start3A_304 : memref<1x128x64xf32, #tpu.memory_space<vmem>> -> memref<128x64xf32, #tpu.memory_space<vmem>>
        %dma_start3A_306 = tpu.memref_slice %arg6[%add3A_300] : memref<25600xi32, #tpu.memory_space<vmem>> -> memref<128xi32, #tpu.memory_space<vmem>>
        %dma_start3A_307 = arith.constant 0 : i32
        %dma_start3A_308 = arith.constant 0 : i32
        %dma_start3A_309 = tpu.memref_slice %arg3[%dma_start3A_307, %dma_start3A_308] : memref<1000000x64xf32, #tpu.memory_space<hbm>> -> memref<1000000x64xf32, #tpu.memory_space<hbm>>
        tpu.enqueue_indirect_dma source(%dma_start3A_309 : memref<1000000x64xf32, #tpu.memory_space<hbm>>) target(%dma_start3A_305 : memref<128x64xf32, #tpu.memory_space<vmem>>) offsets(%dma_start3A_306 : memref<128xi32, #tpu.memory_space<vmem>>) semaphore(%arg9 : memref<!tpu.dma_semaphore, #tpu.memory_space<semaphore_mem>>)
      } else {
      }
      %mul3A_173 = arith.constant 512 : i32
      %mul3A_174 = arith.muli %add3A_165, %mul3A_173 : i32
      %add3A_175 = arith.constant 0 : i32
      %add3A_176 = arith.addi %mul3A_174, %add3A_175 : i32
      %dma_wait3A_177 = arith.constant 1 : i32
      %dma_wait3A_178 = arith.constant 0 : i32
      %dma_wait3A_179 = arith.constant 0 : i32
      %dma_wait3A_180 = tpu.memref_slice %arg7[%dma_wait3A_177, %dma_wait3A_178, %dma_wait3A_179] : memref<2x512x64xf32, #tpu.memory_space<vmem>> -> memref<1x128x64xf32, #tpu.memory_space<vmem>>
      %dma_wait3A_181 = tpu.memref_squeeze %dma_wait3A_180 : memref<1x128x64xf32, #tpu.memory_space<vmem>> -> memref<128x64xf32, #tpu.memory_space<vmem>>
      %dma_wait3A_182 = tpu.memref_slice %arg6[%add3A_176] : memref<25600xi32, #tpu.memory_space<vmem>> -> memref<128xi32, #tpu.memory_space<vmem>>
      %dma_wait3A_183 = arith.constant 0 : i32
      %dma_wait3A_184 = arith.constant 0 : i32
      %dma_wait3A_185 = tpu.memref_slice %arg3[%dma_wait3A_183, %dma_wait3A_184] : memref<1000000x64xf32, #tpu.memory_space<hbm>> -> memref<1000000x64xf32, #tpu.memory_space<hbm>>
      tpu.wait_indirect_dma semaphore(%arg10 : memref<!tpu.dma_semaphore, #tpu.memory_space<semaphore_mem>>) src(%dma_wait3A_185 : memref<1000000x64xf32, #tpu.memory_space<hbm>>) dst(%dma_wait3A_181 : memref<128x64xf32, #tpu.memory_space<vmem>>)
      %mul3A_186 = arith.constant 512 : i32
      %mul3A_187 = arith.muli %add3A_165, %mul3A_186 : i32
      %add3A_188 = arith.constant 128 : i32
      %add3A_189 = arith.addi %mul3A_187, %add3A_188 : i32
      %dma_wait3A_190 = arith.constant 1 : i32
      %dma_wait3A_191 = arith.constant 128 : i32
      %dma_wait3A_192 = arith.constant 0 : i32
      %dma_wait3A_193 = tpu.memref_slice %arg7[%dma_wait3A_190, %dma_wait3A_191, %dma_wait3A_192] : memref<2x512x64xf32, #tpu.memory_space<vmem>> -> memref<1x128x64xf32, #tpu.memory_space<vmem>>
      %dma_wait3A_194 = tpu.memref_squeeze %dma_wait3A_193 : memref<1x128x64xf32, #tpu.memory_space<vmem>> -> memref<128x64xf32, #tpu.memory_space<vmem>>
      %dma_wait3A_195 = tpu.memref_slice %arg6[%add3A_189] : memref<25600xi32, #tpu.memory_space<vmem>> -> memref<128xi32, #tpu.memory_space<vmem>>
      %dma_wait3A_196 = arith.constant 0 : i32
      %dma_wait3A_197 = arith.constant 0 : i32
      %dma_wait3A_198 = tpu.memref_slice %arg3[%dma_wait3A_196, %dma_wait3A_197] : memref<1000000x64xf32, #tpu.memory_space<hbm>> -> memref<1000000x64xf32, #tpu.memory_space<hbm>>
      tpu.wait_indirect_dma semaphore(%arg10 : memref<!tpu.dma_semaphore, #tpu.memory_space<semaphore_mem>>) src(%dma_wait3A_198 : memref<1000000x64xf32, #tpu.memory_space<hbm>>) dst(%dma_wait3A_194 : memref<128x64xf32, #tpu.memory_space<vmem>>)
      %mul3A_199 = arith.constant 512 : i32
      %mul3A_200 = arith.muli %add3A_165, %mul3A_199 : i32
      %add3A_201 = arith.constant 256 : i32
      %add3A_202 = arith.addi %mul3A_200, %add3A_201 : i32
      %dma_wait3A_203 = arith.constant 1 : i32
      %dma_wait3A_204 = arith.constant 256 : i32
      %dma_wait3A_205 = arith.constant 0 : i32
      %dma_wait3A_206 = tpu.memref_slice %arg7[%dma_wait3A_203, %dma_wait3A_204, %dma_wait3A_205] : memref<2x512x64xf32, #tpu.memory_space<vmem>> -> memref<1x128x64xf32, #tpu.memory_space<vmem>>
      %dma_wait3A_207 = tpu.memref_squeeze %dma_wait3A_206 : memref<1x128x64xf32, #tpu.memory_space<vmem>> -> memref<128x64xf32, #tpu.memory_space<vmem>>
      %dma_wait3A_208 = tpu.memref_slice %arg6[%add3A_202] : memref<25600xi32, #tpu.memory_space<vmem>> -> memref<128xi32, #tpu.memory_space<vmem>>
      %dma_wait3A_209 = arith.constant 0 : i32
      %dma_wait3A_210 = arith.constant 0 : i32
      %dma_wait3A_211 = tpu.memref_slice %arg3[%dma_wait3A_209, %dma_wait3A_210] : memref<1000000x64xf32, #tpu.memory_space<hbm>> -> memref<1000000x64xf32, #tpu.memory_space<hbm>>
      tpu.wait_indirect_dma semaphore(%arg10 : memref<!tpu.dma_semaphore, #tpu.memory_space<semaphore_mem>>) src(%dma_wait3A_211 : memref<1000000x64xf32, #tpu.memory_space<hbm>>) dst(%dma_wait3A_207 : memref<128x64xf32, #tpu.memory_space<vmem>>)
      %mul3A_212 = arith.constant 512 : i32
      %mul3A_213 = arith.muli %add3A_165, %mul3A_212 : i32
      %add3A_214 = arith.constant 384 : i32
      %add3A_215 = arith.addi %mul3A_213, %add3A_214 : i32
      %dma_wait3A_216 = arith.constant 1 : i32
      %dma_wait3A_217 = arith.constant 384 : i32
      %dma_wait3A_218 = arith.constant 0 : i32
      %dma_wait3A_219 = tpu.memref_slice %arg7[%dma_wait3A_216, %dma_wait3A_217, %dma_wait3A_218] : memref<2x512x64xf32, #tpu.memory_space<vmem>> -> memref<1x128x64xf32, #tpu.memory_space<vmem>>
      %dma_wait3A_220 = tpu.memref_squeeze %dma_wait3A_219 : memref<1x128x64xf32, #tpu.memory_space<vmem>> -> memref<128x64xf32, #tpu.memory_space<vmem>>
      %dma_wait3A_221 = tpu.memref_slice %arg6[%add3A_215] : memref<25600xi32, #tpu.memory_space<vmem>> -> memref<128xi32, #tpu.memory_space<vmem>>
      %dma_wait3A_222 = arith.constant 0 : i32
      %dma_wait3A_223 = arith.constant 0 : i32
      %dma_wait3A_224 = tpu.memref_slice %arg3[%dma_wait3A_222, %dma_wait3A_223] : memref<1000000x64xf32, #tpu.memory_space<hbm>> -> memref<1000000x64xf32, #tpu.memory_space<hbm>>
      tpu.wait_indirect_dma semaphore(%arg10 : memref<!tpu.dma_semaphore, #tpu.memory_space<semaphore_mem>>) src(%dma_wait3A_224 : memref<1000000x64xf32, #tpu.memory_space<hbm>>) dst(%dma_wait3A_220 : memref<128x64xf32, #tpu.memory_space<vmem>>)
      %mul3A_225 = arith.constant 512 : i32
      %mul3A_226 = arith.muli %add3A_165, %mul3A_225 : i32
      %rem3A_227 = arith.constant 200 : i32
      %rem3A_228 = arith.remsi %mul3A_226, %rem3A_227 : i32
      %scan3A_229 = arith.constant 0 : i32
      %scan3A_230 = arith.constant 0 : i32
      %scan3A_231 = arith.constant 512 : i32
      %scan3A_232 = arith.addi %scan3A_230, %scan3A_231 : i32
      %scan3A_233 = arith.constant 1 : i32
      %scan3A_234 = scf.for %scan3A_252 = %scan3A_230 to %scan3A_232 step %scan3A_233 iter_args(%scan3A_253 = %scan3A_229) -> (i32)  : i32 {
        %add3A_254 = arith.addi %rem3A_228, %scan3A_252 : i32
        %rem3A_255 = arith.constant 200 : i32
        %rem3A_256 = arith.remsi %add3A_254, %rem3A_255 : i32
        %get3A = arith.constant 1 : i32
        %get3A_257 = arith.index_cast %get3A : i32 to index
        %get3A_258 = arith.index_cast %scan3A_252 : i32 to index
        %get3A_259 = arith.constant 0 : index
        %get3A_260 = tpu.vector_load %arg7[%get3A_257, %get3A_258, %get3A_259] {strides = array<i32>} : memref<2x512x64xf32, #tpu.memory_space<vmem>>, vector<1x1x16xf32>,
        %get3A_261 = vector.shape_cast %get3A_260 : vector<1x1x16xf32> to vector<16xf32>
        %mul3A_262 = arith.constant 8.000000e+00 : f32
        %mul3A_263 = vector.broadcast %mul3A_262 : f32 to vector<16xf32>
        %mul3A_264 = arith.mulf %get3A_261, %mul3A_263 : vector<16xf32>
        %get3A_265 = arith.index_cast %rem3A_256 : i32 to index
        %get3A_266 = arith.constant 0 : index
        %get3A_267 = tpu.vector_load %arg8[%get3A_265, %get3A_266] {strides = array<i32>} : memref<200x64xf32, #tpu.memory_space<vmem>>, vector<1x16xf32>,
        %get3A_268 = vector.shape_cast %get3A_267 : vector<1x16xf32> to vector<16xf32>
        %add3A_269 = arith.addf %mul3A_264, %get3A_268 : vector<16xf32>
        %swap3A = arith.constant 1 : i32
        %swap3A_270 = arith.index_cast %swap3A : i32 to index
        %swap3A_271 = arith.index_cast %scan3A_252 : i32 to index
        %swap3A_272 = arith.constant 0 : index
        %swap3A_273 = tpu.vector_load %arg7[%swap3A_270, %swap3A_271, %swap3A_272] {strides = array<i32>} : memref<2x512x64xf32, #tpu.memory_space<vmem>>, vector<1x1x16xf32>,
        %swap3A_274 = vector.shape_cast %swap3A_273 : vector<1x1x16xf32> to vector<16xf32>
        %swap3A_275 = vector.shape_cast %add3A_269 : vector<16xf32> to vector<1x1x16xf32>
        tpu.vector_store %arg7[%swap3A_270, %swap3A_271, %swap3A_272], %swap3A_275 {strides = array<i32>} : memref<2x512x64xf32, #tpu.memory_space<vmem>>, vector<1x1x16xf32>,
        %get3A_276 = arith.constant 1 : i32
        %get3A_277 = arith.index_cast %get3A_276 : i32 to index
        %get3A_278 = arith.index_cast %scan3A_252 : i32 to index
        %get3A_279 = arith.constant 16 : index
        %get3A_280 = tpu.vector_load %arg7[%get3A_277, %get3A_278, %get3A_279] {strides = array<i32>} : memref<2x512x64xf32, #tpu.memory_space<vmem>>, vector<1x1x16xf32>,
        %get3A_281 = vector.shape_cast %get3A_280 : vector<1x1x16xf32> to vector<16xf32>
        %mul3A_282 = arith.constant 8.000000e+00 : f32
        %mul3A_283 = vector.broadcast %mul3A_282 : f32 to vector<16xf32>
        %mul3A_284 = arith.mulf %get3A_281, %mul3A_283 : vector<16xf32>
        %get3A_285 = arith.index_cast %rem3A_256 : i32 to index
        %get3A_286 = arith.constant 16 : index
        %get3A_287 = tpu.vector_load %arg8[%get3A_285, %get3A_286] {strides = array<i32>} : memref<200x64xf32, #tpu.memory_space<vmem>>, vector<1x16xf32>,
        %get3A_288 = vector.shape_cast %get3A_287 : vector<1x16xf32> to vector<16xf32>
        %add3A_289 = arith.addf %mul3A_284, %get3A_288 : vector<16xf32>
        %swap3A_290 = arith.constant 1 : i32
        %swap3A_291 = arith.index_cast %swap3A_290 : i32 to index
        %swap3A_292 = arith.index_cast %scan3A_252 : i32 to index
        %swap3A_293 = arith.constant 16 : index
        %swap3A_294 = tpu.vector_load %arg7[%swap3A_291, %swap3A_292, %swap3A_293] {strides = array<i32>} : memref<2x512x64xf32, #tpu.memory_space<vmem>>, vector<1x1x16xf32>,
        %swap3A_295 = vector.shape_cast %swap3A_294 : vector<1x1x16xf32> to vector<16xf32>
        %swap3A_296 = vector.shape_cast %add3A_289 : vector<16xf32> to vector<1x1x16xf32>
        tpu.vector_store %arg7[%swap3A_291, %swap3A_292, %swap3A_293], %swap3A_296 {strides = array<i32>} : memref<2x512x64xf32, #tpu.memory_space<vmem>>, vector<1x1x16xf32>,
        %get3A_297 = arith.constant 1 : i32
        %get3A_298 = arith.index_cast %get3A_297 : i32 to index
        %get3A_299 = arith.index_cast %scan3A_252 : i32 to index
        %get3A_300 = arith.constant 32 : index
        %get3A_301 = tpu.vector_load %arg7[%get3A_298, %get3A_299, %get3A_300] {strides = array<i32>} : memref<2x512x64xf32, #tpu.memory_space<vmem>>, vector<1x1x16xf32>,
        %get3A_302 = vector.shape_cast %get3A_301 : vector<1x1x16xf32> to vector<16xf32>
        %mul3A_303 = arith.constant 8.000000e+00 : f32
        %mul3A_304 = vector.broadcast %mul3A_303 : f32 to vector<16xf32>
        %mul3A_305 = arith.mulf %get3A_302, %mul3A_304 : vector<16xf32>
        %get3A_306 = arith.index_cast %rem3A_256 : i32 to index
        %get3A_307 = arith.constant 32 : index
        %get3A_308 = tpu.vector_load %arg8[%get3A_306, %get3A_307] {strides = array<i32>} : memref<200x64xf32, #tpu.memory_space<vmem>>, vector<1x16xf32>,
        %get3A_309 = vector.shape_cast %get3A_308 : vector<1x16xf32> to vector<16xf32>
        %add3A_310 = arith.addf %mul3A_305, %get3A_309 : vector<16xf32>
        %swap3A_311 = arith.constant 1 : i32
        %swap3A_312 = arith.index_cast %swap3A_311 : i32 to index
        %swap3A_313 = arith.index_cast %scan3A_252 : i32 to index
        %swap3A_314 = arith.constant 32 : index
        %swap3A_315 = tpu.vector_load %arg7[%swap3A_312, %swap3A_313, %swap3A_314] {strides = array<i32>} : memref<2x512x64xf32, #tpu.memory_space<vmem>>, vector<1x1x16xf32>,
        %swap3A_316 = vector.shape_cast %swap3A_315 : vector<1x1x16xf32> to vector<16xf32>
        %swap3A_317 = vector.shape_cast %add3A_310 : vector<16xf32> to vector<1x1x16xf32>
        tpu.vector_store %arg7[%swap3A_312, %swap3A_313, %swap3A_314], %swap3A_317 {strides = array<i32>} : memref<2x512x64xf32, #tpu.memory_space<vmem>>, vector<1x1x16xf32>,
        %get3A_318 = arith.constant 1 : i32
        %get3A_319 = arith.index_cast %get3A_318 : i32 to index
        %get3A_320 = arith.index_cast %scan3A_252 : i32 to index
        %get3A_321 = arith.constant 48 : index
        %get3A_322 = tpu.vector_load %arg7[%get3A_319, %get3A_320, %get3A_321] {strides = array<i32>} : memref<2x512x64xf32, #tpu.memory_space<vmem>>, vector<1x1x16xf32>,
        %get3A_323 = vector.shape_cast %get3A_322 : vector<1x1x16xf32> to vector<16xf32>
        %mul3A_324 = arith.constant 8.000000e+00 : f32
        %mul3A_325 = vector.broadcast %mul3A_324 : f32 to vector<16xf32>
        %mul3A_326 = arith.mulf %get3A_323, %mul3A_325 : vector<16xf32>
        %get3A_327 = arith.index_cast %rem3A_256 : i32 to index
        %get3A_328 = arith.constant 48 : index
        %get3A_329 = tpu.vector_load %arg8[%get3A_327, %get3A_328] {strides = array<i32>} : memref<200x64xf32, #tpu.memory_space<vmem>>, vector<1x16xf32>,
        %get3A_330 = vector.shape_cast %get3A_329 : vector<1x16xf32> to vector<16xf32>
        %add3A_331 = arith.addf %mul3A_326, %get3A_330 : vector<16xf32>
        %swap3A_332 = arith.constant 1 : i32
        %swap3A_333 = arith.index_cast %swap3A_332 : i32 to index
        %swap3A_334 = arith.index_cast %scan3A_252 : i32 to index
        %swap3A_335 = arith.constant 48 : index
        %swap3A_336 = tpu.vector_load %arg7[%swap3A_333, %swap3A_334, %swap3A_335] {strides = array<i32>} : memref<2x512x64xf32, #tpu.memory_space<vmem>>, vector<1x1x16xf32>,
        %swap3A_337 = vector.shape_cast %swap3A_336 : vector<1x1x16xf32> to vector<16xf32>
        %swap3A_338 = vector.shape_cast %add3A_331 : vector<16xf32> to vector<1x1x16xf32>
        tpu.vector_store %arg7[%swap3A_333, %swap3A_334, %swap3A_335], %swap3A_338 {strides = array<i32>} : memref<2x512x64xf32, #tpu.memory_space<vmem>>, vector<1x1x16xf32>,
        %scan3A_339 = arith.constant 0 : i32
        scf.yield %scan3A_339 : i32
      }
      %scan3A_235 = arith.constant 512 : i32
      %mul3A_236 = arith.constant 512 : i32
      %mul3A_237 = arith.muli %add3A_165, %mul3A_236 : i32
      %add3A_238 = arith.addi %mul3A_2, %mul3A_237 : i32
      %dma_start3A_239 = arith.constant 1 : i32
      %dma_start3A_240 = arith.constant 0 : i32
      %dma_start3A_241 = arith.constant 0 : i32
      %dma_start3A_242 = tpu.memref_slice %arg7[%dma_start3A_239, %dma_start3A_240, %dma_start3A_241] : memref<2x512x64xf32, #tpu.memory_space<vmem>> -> memref<1x512x64xf32, #tpu.memory_space<vmem>>
      %dma_start3A_243 = tpu.memref_squeeze %dma_start3A_242 : memref<1x512x64xf32, #tpu.memory_space<vmem>> -> memref<512x64xf32, #tpu.memory_space<vmem>>
      %dma_start3A_244 = arith.constant 0 : i32
      %dma_start3A_245 = tpu.memref_slice %arg5[%add3A_238, %dma_start3A_244] : memref<819200x64xf32, #tpu.memory_space<hbm>> -> memref<512x64xf32, #tpu.memory_space<hbm>>
      %dma_start3A_246 = arith.constant 0 : i32
      %dma_start3A_247 = tpu.memref_slice %arg5[%add3A_238, %dma_start3A_246] : memref<819200x64xf32, #tpu.memory_space<hbm>> -> memref<512x64xf32, #tpu.memory_space<hbm>>
      %dma_start3A_248 = arith.constant 0 : i32
      %dma_start3A_249 = arith.constant 0 : i32
      %dma_start3A_250 = tpu.memref_slice %arg7[%dma_start3A_239, %dma_start3A_248, %dma_start3A_249] : memref<2x512x64xf32, #tpu.memory_space<vmem>> -> memref<1x512x64xf32, #tpu.memory_space<vmem>>
      %dma_start3A_251 = tpu.memref_squeeze %dma_start3A_250 : memref<1x512x64xf32, #tpu.memory_space<vmem>> -> memref<512x64xf32, #tpu.memory_space<vmem>>
      tpu.enqueue_dma source(%dma_start3A_251 : memref<512x64xf32, #tpu.memory_space<vmem>>) target(%dma_start3A_247 : memref<512x64xf32, #tpu.memory_space<hbm>>) target_semaphore(%arg12 : memref<!tpu.dma_semaphore, #tpu.memory_space<semaphore_mem>>)
    }
    %scan3A_45 = arith.constant 25 : i32
    %add3A_46 = arith.constant 24576 : i32
    %add3A_47 = arith.addi %mul3A_2, %add3A_46 : i32
    %dma_wait3A = arith.constant 0 : i32
    %dma_wait3A_48 = arith.constant 0 : i32
    %dma_wait3A_49 = arith.constant 0 : i32
    %dma_wait3A_50 = tpu.memref_slice %arg7[%dma_wait3A, %dma_wait3A_48, %dma_wait3A_49] : memref<2x512x64xf32, #tpu.memory_space<vmem>> -> memref<1x512x64xf32, #tpu.memory_space<vmem>>
    %dma_wait3A_51 = tpu.memref_squeeze %dma_wait3A_50 : memref<1x512x64xf32, #tpu.memory_space<vmem>> -> memref<512x64xf32, #tpu.memory_space<vmem>>
    %dma_wait3A_52 = arith.constant 0 : i32
    %dma_wait3A_53 = tpu.memref_slice %arg5[%add3A_47, %dma_wait3A_52] : memref<819200x64xf32, #tpu.memory_space<hbm>> -> memref<512x64xf32, #tpu.memory_space<hbm>>
    %dma_wait3A_54 = arith.constant 0 : i32
    %dma_wait3A_55 = tpu.memref_slice %arg5[%add3A_47, %dma_wait3A_54] : memref<819200x64xf32, #tpu.memory_space<hbm>> -> memref<512x64xf32, #tpu.memory_space<hbm>>
    %dma_wait3A_56 = arith.constant 0 : i32
    %dma_wait3A_57 = arith.constant 0 : i32
    %dma_wait3A_58 = tpu.memref_slice %arg7[%dma_wait3A, %dma_wait3A_56, %dma_wait3A_57] : memref<2x512x64xf32, #tpu.memory_space<vmem>> -> memref<1x512x64xf32, #tpu.memory_space<vmem>>
    %dma_wait3A_59 = tpu.memref_squeeze %dma_wait3A_58 : memref<1x512x64xf32, #tpu.memory_space<vmem>> -> memref<512x64xf32, #tpu.memory_space<vmem>>
    tpu.wait_dma2 semaphore(%arg11 : memref<!tpu.dma_semaphore, #tpu.memory_space<semaphore_mem>>) src(%dma_wait3A_59 : memref<512x64xf32, #tpu.memory_space<vmem>>) dst(%dma_wait3A_55 : memref<512x64xf32, #tpu.memory_space<hbm>>)
    %add3A_60 = arith.constant 25088 : i32
    %add3A_61 = arith.addi %mul3A_2, %add3A_60 : i32
    %dma_wait3A_62 = arith.constant 1 : i32
    %dma_wait3A_63 = arith.constant 0 : i32
    %dma_wait3A_64 = arith.constant 0 : i32
    %dma_wait3A_65 = tpu.memref_slice %arg7[%dma_wait3A_62, %dma_wait3A_63, %dma_wait3A_64] : memref<2x512x64xf32, #tpu.memory_space<vmem>> -> memref<1x512x64xf32, #tpu.memory_space<vmem>>
    %dma_wait3A_66 = tpu.memref_squeeze %dma_wait3A_65 : memref<1x512x64xf32, #tpu.memory_space<vmem>> -> memref<512x64xf32, #tpu.memory_space<vmem>>
    %dma_wait3A_67 = arith.constant 0 : i32
    %dma_wait3A_68 = tpu.memref_slice %arg5[%add3A_61, %dma_wait3A_67] : memref<819200x64xf32, #tpu.memory_space<hbm>> -> memref<512x64xf32, #tpu.memory_space<hbm>>
    %dma_wait3A_69 = arith.constant 0 : i32
    %dma_wait3A_70 = tpu.memref_slice %arg5[%add3A_61, %dma_wait3A_69] : memref<819200x64xf32, #tpu.memory_space<hbm>> -> memref<512x64xf32, #tpu.memory_space<hbm>>
    %dma_wait3A_71 = arith.constant 0 : i32
    %dma_wait3A_72 = arith.constant 0 : i32
    %dma_wait3A_73 = tpu.memref_slice %arg7[%dma_wait3A_62, %dma_wait3A_71, %dma_wait3A_72] : memref<2x512x64xf32, #tpu.memory_space<vmem>> -> memref<1x512x64xf32, #tpu.memory_space<vmem>>
    %dma_wait3A_74 = tpu.memref_squeeze %dma_wait3A_73 : memref<1x512x64xf32, #tpu.memory_space<vmem>> -> memref<512x64xf32, #tpu.memory_space<vmem>>
    tpu.wait_dma2 semaphore(%arg12 : memref<!tpu.dma_semaphore, #tpu.memory_space<semaphore_mem>>) src(%dma_wait3A_74 : memref<512x64xf32, #tpu.memory_space<vmem>>) dst(%dma_wait3A_70 : memref<512x64xf32, #tpu.memory_space<hbm>>)
    return
  }
}

</mosaic_0001>

<sc_bundles>
// kernel: kernel.3.cloned.1.call-start
scs
__scs_entry_jumppad:
0x0: {  	(pc) =	sbr.rel $0x88, $3  }
0x1: {  	(tag) =	ssettag $0x0;
	lr =	simm.s32 $0x1  }
0x2: {  	[smem:$0x3F9E] =	sst lr;
	_ =	strace $0xD0000000  }
0x3: {  	_ = 	snop  }
0x4: {  	_ = 	snop  }
0x5: {  	_ = 	snop  }
0x6: {  	_ = 	snop  }
0x7: {  	_ = 	snop  }
__scs_overlays_trampoline_lowered:
0x8: {  	[smem:$0x3FAD] =	sst s0  }
0x9: {  	[smem:$0x3FAE] =	sst s1  }
0xa: {  	[smem:$0x3FAF] =	sst s2  }
0xb: {  	[smem:$0x3FB0] =	sst s3  }
0xc: {  	[smem:$0x3FB1] =	sst s4  }
0xd: {  	[smem:$0x3FB2] =	sst s5  }
0xe: {  	[smem:$0x3FB3] =	sst s6  }
0xf: {  	[smem:$0x3FB4] =	sst s7  }
0x10: {  	[smem:$0x3FB5] =	sst s8  }
0x11: {  	[smem:$0x3FB6] =	sst s9;
	s0 =	simm.s32 @!p0 $0x0  }
0x12: {  	s1 =	sld [smem:$0x3F9C];
	s0 =	simm.s32 @p0 $0x1  }
0x13: {  	[smem:$0x3FB7] =	sst s0;
	s0 =	simm.s32 @!p1 $0x0  }
0x14: {  	s2 =	sld [smem:$0x3F9B];
	s0 =	simm.s32 @p1 $0x1  }
0x15: {  	[smem:$0x3FB8] =	sst s0;
	s0 =	simm.s32 @!p2 $0x0  }
0x16: {  	s3 =	sld [smem:$0x3FDB];
	s0 =	simm.s32 @p2 $0x1  }
0x17: {  	s4 =	simm.s32 $0x1BF5;
	[smem:$0x3FBA] =	sst s0  }
0x18: {  	s0 =	sld [smem:$0x3F9D];
	_ =	swait.ge [sflag:s4], $0x0  }
0x19: {  	s7 =	sld [smem:$0x3F9E]  }
0x1a: {  	s8 =	sadd.s32 $0xFFFFE003, lr  }
0x1b: {  	s9 =	sadd.s32 $0xFFFFFEF7, lr;
	s5 =	simm.s32 $0xFFFFFFFF;
	p2 =	slt.u32 s8, $0xFFFFF086  }
0x1c: {  	p1 =	slt.u32 s9, $0xF7A;
	s5 =	simm.s32 @!p2 $0x0  }
0x1d: {  	s5 =	simm.s32 @p1 $0x1;
	p0 =	seq.s32 s7, s2  }
0x1e: {  	s7 =	smul.u32 @!p0 $0xF7A, s2;
	p2 =	seq.s32 @!p0 s5, $0x0  }
0x1f: {  	s9 =	smul.u32 $0xF7A, s1;
	s8 =	simm.s32 @!p0 $0x1BF5;
	p2 =	por !p2, p0  }
0x20: {  	[sflag:s8] =	ssyncset.s32 @!p0 $0xFFFFF086;
	s6 =	sadd.s32 @!p0 s3, s7;
	s7 =	simm.s32 @!p0 $0x108  }
0x21: {  	s3 =	sadd.s32 s3, s9;
	s6 =	sadd.s32 @!p0 $0x88, s6;
	s7 =	simm.s32 @p2 $0x1082  }
0x22: {  	[simem:s7], [sflag:s8] =	dma.local @!p0 [hbm:s6], $0xF7A  }
0x23: {  	s9 =	sor.u32 $0xD0000000, s2;
	s6 =	simm.s32 $0x108;
	_ =	swait.ge @!p0 [sflag:s8], $0x0  }
0x24: {  	s3 =	sadd.s32 $0x88, s3;
	s6 =	simm.s32 @!p1 $0x1082;
	[sflag:s4] =	ssyncset.s32 $0xFFFFF086  }
0x25: {  	[simem:s6], [sflag:s4] =	dma.local [hbm:s3], $0xF7A  }
0x26: {  	[smem:$0x3F9E] =	sst s1;
	(tag) =	ssettag s2;
	_ =	strace s9  }
0x27: {  	s1 =	sld [smem:$0x3FAE]  }
0x28: {  	s2 =	sld [smem:$0x3FAF]  }
0x29: {  	s4 =	sld [smem:$0x3FB1]  }
0x2a: {  	p0 =	seq.s32 s5, $0x0;
	s5 =	sld [smem:$0x3FB2]  }
0x2b: {  	s6 =	sld [smem:$0x3FB3]  }
0x2c: {  	s7 =	sld [smem:$0x3FB4]  }
0x2d: {  	s3 =	simm.s32 $0x108;
	s8 =	sld [smem:$0x3FB5]  }
0x2e: {  	s3 =	simm.s32 @!p0 $0x1082;
	s9 =	sld [smem:$0x3FB6]  }
0x2f: {  	lr =	sadd.s32 s0, s3;
	s0 =	sld [smem:$0x3FAD]  }
0x30: {  	s3 =	sld [smem:$0x3FB0]  }
0x31: {  	[smem:$0x3FB9] =	sst s10  }
0x32: {  	s10 =	sld [smem:$0x3FB7];
	_ =	sdelay $0x3  }
0x33: {  	p0 =	seq.s32 s10, $0x1;
	s10 =	sld [smem:$0x3FB9];
	_ =	sdelay $0x3  }
0x34: {  	[smem:$0x3FB9] =	sst s10  }
0x35: {  	s10 =	sld [smem:$0x3FB8];
	_ =	sdelay $0x3  }
0x36: {  	p1 =	seq.s32 s10, $0x1;
	s10 =	sld [smem:$0x3FB9];
	_ =	sdelay $0x3  }
0x37: {  	[smem:$0x3FB9] =	sst s10  }
0x38: {  	s10 =	sld [smem:$0x3FBA]  }
0x39: {  	_ = 	snop;
	(pc) =	sbr.ind lr, $3  }
0x3a: {  	_ = 	snop  }
0x3b: {  	_ = 	snop  }
0x3c: {  	p2 =	seq.s32 s10, $0x1;
	s10 =	sld [smem:$0x3FB9]  }
0x3d: {  	_ =	shalt  }
0x3e: {  	_ =	shalt  }
0x3f: {  	_ =	shalt  }
0x40: {  	_ =	shalt  }
0x41: {  	_ =	shalt  }
0x42: {  	_ =	shalt  }
0x43: {  	_ =	shalt  }
0x44: {  	_ =	shalt  }
0x45: {  	_ =	shalt  }
0x46: {  	_ =	shalt  }
0x47: {  	_ =	shalt  }
0x48: {  	_ =	shalt  }
0x49: {  	_ =	shalt  }
0x4a: {  	_ =	shalt  }
0x4b: {  	_ =	shalt  }
0x4c: {  	_ =	shalt  }
0x4d: {  	_ =	shalt  }
0x4e: {  	_ =	shalt  }
0x4f: {  	_ =	shalt  }
0x50: {  	_ =	shalt  }
0x51: {  	_ =	shalt  }
0x52: {  	_ =	shalt  }
0x53: {  	_ =	shalt  }
0x54: {  	_ =	shalt  }
0x55: {  	_ =	shalt  }
0x56: {  	_ =	shalt  }
0x57: {  	_ =	shalt  }
0x58: {  	_ =	shalt  }
0x59: {  	_ =	shalt  }
0x5a: {  	_ =	shalt  }
0x5b: {  	_ =	shalt  }
0x5c: {  	_ =	shalt  }
0x5d: {  	_ =	shalt  }
0x5e: {  	_ =	shalt  }
0x5f: {  	_ =	shalt  }
0x60: {  	_ =	shalt  }
0x61: {  	_ =	shalt  }
0x62: {  	_ =	shalt  }
0x63: {  	_ =	shalt  }
0x64: {  	_ =	shalt  }
0x65: {  	_ =	shalt  }
0x66: {  	_ =	shalt  }
0x67: {  	_ =	shalt  }
0x68: {  	_ =	shalt  }
0x69: {  	_ =	shalt  }
0x6a: {  	_ =	shalt  }
0x6b: {  	_ =	shalt  }
0x6c: {  	_ =	shalt  }
0x6d: {  	_ =	shalt  }
0x6e: {  	_ =	shalt  }
0x6f: {  	_ =	shalt  }
0x70: {  	_ =	shalt  }
0x71: {  	_ =	shalt  }
0x72: {  	_ =	shalt  }
0x73: {  	_ =	shalt  }
0x74: {  	_ =	shalt  }
0x75: {  	_ =	shalt  }
0x76: {  	_ =	shalt  }
0x77: {  	_ =	shalt  }
0x78: {  	_ =	shalt  }
0x79: {  	_ =	shalt  }
0x7a: {  	_ =	shalt  }
0x7b: {  	_ =	shalt  }
0x7c: {  	_ =	shalt  }
0x7d: {  	_ =	shalt  }
0x7e: {  	_ =	shalt  }
0x7f: {  	_ =	shalt  }
0x80: {  	_ =	shalt  }
0x81: {  	_ =	shalt  }
0x82: {  	_ =	shalt  }
0x83: {  	_ =	shalt  }
0x84: {  	_ =	shalt  }
0x85: {  	_ =	shalt  }
0x86: {  	_ =	shalt  }
0x87: {  	_ =	shalt  }
.Lfunc_end0:
.L_simem_size_0:
called_computation.1_lowered:
.L_overlay_start_0:
0x88: {  	s2 =	sld [smem:$0x3FD9]  }
0x89: {  	s3 =	sld [smem:$0x3FFE];
	_ =	sdelay $0x1  }
0x8a: {  	s1 =	srdreg.scid  }
0x8b: {  	s0 =	sand.u32 $0x1, s1  }
0x8c: {  	s17 =	sshll.u32 s0, $0xA;
	s2 =	sadd.s32 s3, s2  }
0x8d: {  	s2 =	sadd.s32 s2, s17  }
0x8e: {  	[smem:$0x3FC5] =	sst s2  }
0x8f: {  	_ = 	snop  }
0x90: {  	s2 =	sld [smem:$0x3FD0];
	(tm) =	ssettm $0x1  }
0x91: {  	s18 =	sld [smem:$0x3FFB];
	_ =	sdelay $0x3  }
0x92: {  	_ =	strace s18  }
0x93: {  	s3 =	sld [smem:$0x3FFC];
	_ =	sdelay $0x3  }
0x94: {  	_ =	strace s3  }
0x95: {  	s3 =	sld [smem:$0x3FFD];
	_ =	sdelay $0x3  }
0x96: {  	_ =	strace s3  }
0x97: {  	_ =	strace $0x8FFFFFFF  }
0x98: {  	s19 =	sld [smem:$0x3FDB];
	_ =	sdelay $0x1  }
0x99: {  	s4 =	simm.s32 $_scs_section_size  }
0x9a: {  	s5 =	simm.s32 $_size__tile_overlayer_lowered;
	s6 =	simm.s32 $_tile_overlayer_lowered  }
0x9b: {  	s22 =	simm.s32 $0x1BFF;
	s21 =	sshll.u32 s6, $0x1;
	s3 =	sadd.s32 s4, s19  }
0x9c: {  	s7 =	simm.s32 $0x0;
	s20 =	sshll.u32 s5, $0x1;
	s5 =	sadd.s32 s21, s3  }
0x9d: {  	[timem:s7], [sflag:s22] =	dma.local [hbm:s5], s20  }
0x9e: {  	_ =	swait.ge [sflag:s22], s20  }
0x9f: {  	s4 =	ssub.s32 $0x0, s20;
	[sflag:s22] =	ssyncset.done $0x0  }
0xa0: {  	[sflag:s22] =	ssyncadd.s32 s4;
	_ =	sdelay $0x1  }
0xa1: {  	s23 =	simm.s32 $0x1B8B  }
0xa2: {  	_ =	swait.ge [sflag:s23], $0x1  }
0xa3: {  	[sflag:s23] =	ssyncset.done $0x0  }
0xa4: {  	s25 =	simm.s32 $0x1B8E;
	s24 =	sld [smem:$0x3FFE];
	[sflag:s23] =	ssyncadd.s32 $0xFFFFFFFF  }
0xa5: {  	s26 =	simm.s32 $execute0_lowered;
	[smem:$0x3FD2] =	sst s25  }
0xa6: {  	s5 =	sshll.u32 s26, $0x1;
	_ =	strace $0x80000046;
	[dreg:$0x1] =	wrdreg $0xFFFFFFFF  }
0xa7: {  	s28 =	simm.s32 $_size_execute0_lowered;
	s3 =	sadd.s32 s3, s5;
	[dreg:$0x0] =	wrdreg $0x0  }
0xa8: {  	s5 =	sshll.u32 s28, $0x1;
	[dreg:$0x2] =	wrdreg s3  }
0xa9: {  	[dreg:$0x3] =	wrdreg s5  }
0xaa: {  	[dreg:$0x4] =	wrdreg $0xC0  }
0xab: {  	_ =	task [dreg:s7], $0x5FFFF  }
0xac: {  	[dreg:$0x1] =	wrdreg $0xFFFFFFFF  }
0xad: {  	[dreg:$0x0] =	wrdreg $0x60  }
0xae: {  	[dreg:$0x2] =	wrdreg s24  }
0xaf: {  	[dreg:$0x3] =	wrdreg s2  }
0xb0: {  	[dreg:$0x4] =	wrdreg $0x9  }
0xb1: {  	_ =	task.clear_ibuf [dreg:s7], $0x5FFFF;
	_ =	strace $0x90000046  }
0xb2: {  	s29 =	simm.s32 $0x9;
	_ =	strace $0x80000048  }
0xb3: {  	_ =	swait.ge [sflag:s29], $0x1  }
0xb4: {  	[sflag:s29] =	ssyncadd.s32 $0xFFFFFFFF  }
0xb5: {  	_ =	strace $0x90000048  }
0xb6: {  	_ =	sfence  }
0xb7: {  	s30 =	sld [smem:$0x0];
	_ =	sdelay $0x2  }
0xb8: {  	s31 =	sshll.u32 s1, $0xD;
	s1 =	sshrl.u32 s1, $0x2  }
0xb9: {  	s3 =	sand.u32 $0x4000, s31;
	s1 =	sadd.s32 s1, s30  }
0xba: {  	s0 =	sor.u32 s3, s0;
	s1 =	sshll.u32 s1, $0x11  }
0xbb: {  	s0 =	sor.u32 s1, s0  }
0xbc: {  	s0 =	sadd.s32 $0x8F2B, s0  }
0xbd: {  	[sflag:s0] =	ssyncadd.remote.s32 $0x1  }
0xbe: {  	_ =	sfence.sel $0xFFFF  }
0xbf: {  	[dreg:$0x0] =	wrdreg $0xFFFFFFFF;
	(pc) =	sbr.abs _section_cstart, $3  }
0xc0: {  	[dreg:$0x1] =	wrdreg $0xFFFFFFFF  }
0xc1: {  	_ =	task.clear_ibuf [dreg:s7], $0x2FFFF;
	_ =	strace $0x9FFFFFFF  }
0xc2: {  	(tm) =	ssettm $0x7FFFFFFF  }
0xc3: {  	_ =	shalt  }
tec
execute0_lowered:
.L_overlay_start_1:
0x0: {  	(tag) =	ssettag $0x1  }
0x1: {  	s0 =	srdreg.scid  }
0x2: {  	s1 =	rddreg [dreg:$0x0];
	s4 =	stileid.u32  }
0x3: {  	s2 =	rddreg [dreg:$0x1];
	s9 =	simm.s32 $0x5;
	s10 =	simm.s32 $0x80  }
0x4: {  	s11 =	simm.s32 $0x6400;
	s17 =	simm.s32 $0xE400;
	s0 =	sand.u32 $0x1, s0  }
0x5: {  	s18 =	simm.s32 $0x10400;
	s3 =	sshll.u32 s0, $0x4;
	s0 =	ssub.s32 $0x2, s0  }
0x6: {  	s19 =	simm.s32 $0x12400;
	s4 =	sor.u32 s4, s3;
	s7 =	sshrl.u32 s0, $0x1  }
0x7: {  	s3 =	simm.s32 $0x0;
	s4 =	smul.u32 $0x6400, s4;
	s0 =	ssub.s32 s0, s7  }
0x8: {  	s20 =	simm.s32 $0x14400;
	[smem:$0x7FF] =	sst s3;
	s0 =	smax.u32 s0, $0x1  }
0x9: {  	_ =	strace $0x80000047;
	s5 =	sshrl.u32 s4, $0x3;
	[dreg:$0x5] =	wrdreg s0  }
0xa: {  	s6 =	sadd.s32 s5, s1;
	s5 =	sadd.s32 $0xF43000, s1;
	s1 =	sadd.s32 $0x19C00, s1  }
0xb: {  	s21 =	simm.s32 $0x1;
	[dreg:$0x3] =	wrdreg s1;
	s31 =	sadd.s32 $0xC00, s6  }
0xc: {  	s22 =	simm.s32 $0x2;
	s25 =	simm.s32 $0x0;
	[dreg:$0x4] =	wrdreg s31  }
.LBB2_1:
0xd: {  	s26 =	simm.s32 $0x16400;
	s0 =	rddreg [dreg:$0x3]  }
0xe: {  	[tilespmem:s26], [sflag:$0x5] =	stream.linear.gather [hbm4b:s0+s3], $0x3200, $0x38;
	[tilespmem:$0x19600] =	vst v63  }
0xf: {  	_ =	swait.ge [sflag:s9], $0x3200  }
0x10: {  	[sflag:s9] =	ssyncset.done $0x0  }
0x11: {  	s14 =	rddreg [dreg:$0x4];
	[sflag:s9] =	ssyncadd.s32 $0xFFFFCE00  }
0x12: {  	[tilespmem:s3], [sflag:$0x5] =	stream.linear.gather [hbm4b:s14+s3], $0x6400, $0x38;
	[tilespmem:$0x19600] =	vst v63  }
0x13: {  	_ =	swait.ge [sflag:s9], $0x6400  }
0x14: {  	[sflag:s9] =	ssyncset.done $0x0  }
0x15: {  	[sflag:s9] =	ssyncadd.s32 $0xFFFF9C00  }
0x16: {  	[tilespmem:s11], [sflag:$0x1] =	stream.indirect.gather [hbm4b:s5+s10], $0x40, s3, s10, $0xb8;
	[tilespmem:$0x19600] =	vst v63  }
0x17: {  	s15 =	simm.s32 $0x8400;
	s16 =	simm.s32 $0x100;
	s1 =	simm.s32 $0xA400  }
0x18: {  	[tilespmem:s15], [sflag:$0x1] =	stream.indirect.gather [hbm4b:s5+s10], $0x40, s10, s10, $0xb8;
	[tilespmem:$0x19600] =	vst v63  }
0x19: {  	s23 =	simm.s32 $0x180;
	s24 =	simm.s32 $0xC400;
	s28 =	simm.s32 $0x1E420  }
0x1a: {  	[tilespmem:s1], [sflag:$0x1] =	stream.indirect.gather [hbm4b:s5+s10], $0x40, s16, s10, $0xb8;
	[tilespmem:$0x19600] =	vst v63  }
0x1b: {  	s29 =	simm.s32 $0x200;
	s30 =	simm.s32 $0x0;
	s31 =	simm.s32 $0x0  }
0x1c: {  	[tilespmem:s24], [sflag:$0x1] =	stream.indirect.gather [hbm4b:s5+s10], $0x40, s23, s10, $0xb8;
	[tilespmem:$0x19600] =	vst v63  }
.LBB2_2:
0x1d: {  	p0 =	seq.s32 s31, $0x0  }
0x1e: {  	s0 =	simm.s32 @!p0 $0x4  }
0x1f: {  	_ =	swait.ge @!p0 [sflag:s0], $0x8000  }
0x20: {  	s12 =	sshll.u32 s31, $0xA;
	[sflag:s0] =	ssyncset.done @!p0 $0x0  }
0x21: {  	s1 =	sor.u32 $0x200, s12;
	[sflag:s0] =	ssyncadd.s32 @!p0 $0xFFFF8000  }
0x22: {  	[tilespmem:s17], [sflag:$0x2] =	stream.indirect.gather [hbm4b:s5+s10], $0x40, s1, s10, $0xb8;
	[tilespmem:$0x19600] =	vst v63  }
0x23: {  	s23 =	sadd.s32 $0x80, s1  }
0x24: {  	[tilespmem:s18], [sflag:$0x2] =	stream.indirect.gather [hbm4b:s5+s10], $0x40, s23, s10, $0xb8;
	[tilespmem:$0x19600] =	vst v63  }
0x25: {  	s24 =	sadd.s32 $0x100, s1  }
0x26: {  	[tilespmem:s19], [sflag:$0x2] =	stream.indirect.gather [hbm4b:s5+s10], $0x40, s24, s10, $0xb8;
	[tilespmem:$0x19600] =	vst v63  }
0x27: {  	s6 =	sadd.s32 $0x180, s1  }
0x28: {  	[tilespmem:s20], [sflag:$0x2] =	stream.indirect.gather [hbm4b:s5+s10], $0x40, s6, s10, $0xb8;
	[tilespmem:$0x19600] =	vst v63  }
0x29: {  	s7 =	smulhi.u32 $0x51EB851F, s30;
	_ =	swait.ge [sflag:s21], $0x2000  }
0x2a: {  	[sflag:s21] =	ssyncset.done $0x0  }
0x2b: {  	s0 =	sshrl.u32 s7, $0x6;
	[sflag:s21] =	ssyncadd.s32 $0xFFFFE000  }
0x2c: {  	s6 =	smul.u32 $0xC8, s0;
	_ =	swait.ge [sflag:s21], $0x2000  }
0x2d: {  	[sflag:s21] =	ssyncset.done $0x0  }
0x2e: {  	s6 =	ssub.s32 s30, s6;
	[sflag:s21] =	ssyncadd.s32 $0xFFFFE000  }
0x2f: {  	s7 =	smulhi.u32 $0x51EB851F, s6;
	_ =	swait.ge [sflag:s21], $0x2000  }
0x30: {  	[sflag:s21] =	ssyncset.done $0x0  }
0x31: {  	s0 =	smul.u32 $0xFFFF3800, s0;
	s7 =	sshrl.u32 s7, $0x6;
	[sflag:s21] =	ssyncadd.s32 $0xFFFFE000  }
0x32: {  	s7 =	smul.u32 $0xFFFF3800, s7;
	_ =	swait.ge [sflag:s21], $0x2000  }
0x33: {  	s14 =	simm.s32 $0x0;
	s0 =	sshra.s32 s0, $0x2;
	[sflag:s21] =	ssyncset.done $0x0  }
0x34: {  	s15 =	sadd.s32 s0, s26;
	s8 =	sshra.s32 s7, $0x2;
	[sflag:s21] =	ssyncadd.s32 $0xFFFFE000  }
0x35: {  	s0 =	sadd.s32 s8, s15;
	v0 =	vld [tilespmem:s14+$0x6400]  }
0x36: {  	s23 =	sadd.s32 $0x0, s0  }
0x37: {  	v1 =	vld [tilespmem:s23+$0x0];
	_ =	sdelay $0x2  }
0x38: {  	v0 =	vmul.f32 $8.000000000e+00, v0;
	_ =	sdelay $0x1  }
0x39: {  	v0 =	vadd.f32 v1, v0  }
0x3a: {  	v1 =	vld [tilespmem:s14+$0x6410]  }
0x3b: {  	[tilespmem:s14+$0x6400] =	vst v0  }
0x3c: {  	v0 =	vld [tilespmem:s23+$0x10];
	_ =	sdelay $0x2  }
0x3d: {  	v1 =	vmul.f32 $8.000000000e+00, v1;
	_ =	sdelay $0x1  }
0x3e: {  	v0 =	vadd.f32 v0, v1  }
0x3f: {  	v1 =	vld [tilespmem:s14+$0x6420]  }
0x40: {  	[tilespmem:s14+$0x6410] =	vst v0  }
0x41: {  	v0 =	vld [tilespmem:s23+$0x20]  }
0x42: {  	s13 =	smulhi.u32 $0x51EB851F, s29;
	_ =	sdelay $0x1  }
0x43: {  	s0 =	sshrl.u32 s13, $0x6;
	v1 =	vmul.f32 $8.000000000e+00, v1  }
0x44: {  	s16 =	smul.u32 $0xFFFF3800, s0  }
0x45: {  	s8 =	smul.u32 $0xC8, s0;
	v1 =	vadd.f32 v0, v1  }
0x46: {  	s6 =	sadd.s32 $0x1, s6;
	v0 =	vld [tilespmem:s14+$0x6430]  }
0x47: {  	s7 =	simm.s32 $0x200;
	s24 =	sshra.s32 s16, $0x2;
	s13 =	ssub.s32 s29, s8;
	[tilespmem:s14+$0x6420] =	vst v1  }
0x48: {  	s16 =	simm.s32 $0x100;
	s8 =	smulhi.u32 $0x51EB851F, s6;
	s0 =	sadd.s32 s24, s28;
	v1 =	vld [tilespmem:s23+$0x30]  }
.LBB2_3:
0x49: {  	p0 =	sne.s32 s7, $0x1FF00  }
0x4a: {  	s8 =	sshrl.u32 s8, $0x6  }
0x4b: {  	s8 =	smul.u32 $0xFFFF3800, s8;
	v0 =	vmul.f32 $8.000000000e+00, v0;
	_ =	sdelay $0x1  }
0x4c: {  	s23 =	sshra.s32 s16, $0x2;
	s16 =	smov.u32 s7;
	s8 =	sshra.s32 s8, $0x2;
	v0 =	vadd.f32 v1, v0  }
0x4d: {  	s8 =	sadd.s32 s8, s15;
	v1 =	vld [tilespmem:s23+$0x6400]  }
0x4e: {  	s24 =	sadd.s32 s23, s8;
	[tilespmem:s14+$0x6430] =	vst v0;
	s14 =	smov.u32 s23  }
0x4f: {  	v0 =	vld [tilespmem:s24+$0x0];
	_ =	sdelay $0x2  }
0x50: {  	v1 =	vmul.f32 $8.000000000e+00, v1;
	_ =	sdelay $0x1  }
0x51: {  	v0 =	vadd.f32 v0, v1  }
0x52: {  	v1 =	vld [tilespmem:s14+$0x6410]  }
0x53: {  	[tilespmem:s14+$0x6400] =	vst v0  }
0x54: {  	v0 =	vld [tilespmem:s24+$0x10];
	_ =	sdelay $0x2  }
0x55: {  	v1 =	vmul.f32 $8.000000000e+00, v1;
	_ =	sdelay $0x1  }
0x56: {  	v0 =	vadd.f32 v0, v1  }
0x57: {  	v1 =	vld [tilespmem:s14+$0x6420]  }
0x58: {  	[tilespmem:s14+$0x6410] =	vst v0  }
0x59: {  	v0 =	vld [tilespmem:s24+$0x20];
	_ =	sdelay $0x2  }
0x5a: {  	v1 =	vmul.f32 $8.000000000e+00, v1  }
.Ltmp0:
0x5b: {  	(pc) =	sbr.rel @p0 .LBB2_3-.Ltmp0, $4  }
0x5c: {  	v1 =	vadd.f32 v0, v1  }
0x5d: {  	v0 =	vld [tilespmem:s14+$0x6430]  }
0x5e: {  	s6 =	sadd.s32 $0x1, s6;
	[tilespmem:s14+$0x6420] =	vst v1  }
0x5f: {  	s7 =	sadd.s32 $0x100, s7;
	s8 =	smulhi.u32 $0x51EB851F, s6;
	v1 =	vld [tilespmem:s24+$0x30]  }
0x60: {  	_ = 	snop  }
0x61: {  	s6 =	sshrl.u32 s8, $0x6  }
0x62: {  	s6 =	smul.u32 $0xFFFF3800, s6;
	v0 =	vmul.f32 $8.000000000e+00, v0;
	_ =	sdelay $0x1  }
0x63: {  	s7 =	sshra.s32 s16, $0x2;
	s6 =	sshra.s32 s6, $0x2;
	v0 =	vadd.f32 v1, v0  }
0x64: {  	v1 =	vld [tilespmem:s7+$0x6400];
	s6 =	sadd.s32 s6, s15  }
0x65: {  	s6 =	sadd.s32 s7, s6;
	[tilespmem:s14+$0x6430] =	vst v0  }
0x66: {  	v0 =	vld [tilespmem:s6+$0x0];
	_ =	sdelay $0x2  }
0x67: {  	v1 =	vmul.f32 $8.000000000e+00, v1;
	_ =	sdelay $0x1  }
0x68: {  	v0 =	vadd.f32 v0, v1  }
0x69: {  	v1 =	vld [tilespmem:s7+$0x6410]  }
0x6a: {  	[tilespmem:s7+$0x6400] =	vst v0  }
0x6b: {  	v0 =	vld [tilespmem:s6+$0x10];
	_ =	sdelay $0x2  }
0x6c: {  	v1 =	vmul.f32 $8.000000000e+00, v1;
	_ =	sdelay $0x1  }
0x6d: {  	v0 =	vadd.f32 v0, v1  }
0x6e: {  	v1 =	vld [tilespmem:s7+$0x6420]  }
0x6f: {  	[tilespmem:s7+$0x6410] =	vst v0  }
0x70: {  	v0 =	vld [tilespmem:s6+$0x20];
	_ =	sdelay $0x2  }
0x71: {  	v1 =	vmul.f32 $8.000000000e+00, v1;
	_ =	sdelay $0x1  }
0x72: {  	v0 =	vadd.f32 v0, v1  }
0x73: {  	v1 =	vld [tilespmem:s7+$0x6430]  }
0x74: {  	[tilespmem:s7+$0x6420] =	vst v0  }
0x75: {  	v0 =	vld [tilespmem:s6+$0x30];
	_ =	sdelay $0x2  }
0x76: {  	v1 =	vmul.f32 $8.000000000e+00, v1;
	_ =	sdelay $0x1  }
0x77: {  	s16 =	sadd.s32 s4, s12;
	v0 =	vadd.f32 v0, v1  }
0x78: {  	s6 =	sshll.u32 s16, $0x3  }
0x79: {  	p0 =	seq.s32 s31, $0x18;
	s6 =	sadd.s32 s2, s6;
	[tilespmem:s7+$0x6430] =	vst v0  }
0x7a: {  	[hbm4b:s6+s3] =	stream.linear.scatter [tilespmem:s11], [sflag:$0x3], $0x8000, $0x38;
	[tilespmem:$0x19600] =	vst v63  }
0x7b: {  	s6 =	simm.s32 @!p0 $0x3  }
0x7c: {  	_ =	swait.ge @!p0 [sflag:s6], $0x8000  }
0x7d: {  	s8 =	simm.s32 @!p0 $0x6400;
	[sflag:s6] =	ssyncset.done @!p0 $0x0  }
0x7e: {  	s7 =	simm.s32 @!p0 $0x80;
	[sflag:s6] =	ssyncadd.s32 @!p0 $0xFFFF8000;
	s6 =	sadd.s32 @!p0 $0x400, s12  }
0x7f: {  	[tilespmem:s8], [sflag:$0x1] =	stream.indirect.gather @!p0 [hbm4b:s5+s7], $0x40, s6, s7, $0xb8;
	[tilespmem:$0x19600] =	vst v63  }
0x80: {  	s6 =	sadd.s32 @!p0 $0x480, s12;
	s8 =	simm.s32 @!p0 $0x8400  }
0x81: {  	[tilespmem:s8], [sflag:$0x1] =	stream.indirect.gather @!p0 [hbm4b:s5+s7], $0x40, s6, s7, $0xb8;
	[tilespmem:$0x19600] =	vst v63  }
0x82: {  	s6 =	sadd.s32 @!p0 $0x500, s12;
	s8 =	simm.s32 @!p0 $0xA400  }
0x83: {  	[tilespmem:s8], [sflag:$0x1] =	stream.indirect.gather @!p0 [hbm4b:s5+s7], $0x40, s6, s7, $0xb8;
	[tilespmem:$0x19600] =	vst v63  }
0x84: {  	s6 =	sadd.s32 @!p0 $0x580, s12;
	s8 =	simm.s32 @!p0 $0xC400  }
0x85: {  	[tilespmem:s8], [sflag:$0x1] =	stream.indirect.gather @!p0 [hbm4b:s5+s7], $0x40, s6, s7, $0xb8;
	[tilespmem:$0x19600] =	vst v63  }
0x86: {  	_ =	swait.ge [sflag:s22], $0x2000  }
0x87: {  	[sflag:s22] =	ssyncset.done $0x0  }
0x88: {  	[sflag:s22] =	ssyncadd.s32 $0xFFFFE000  }
0x89: {  	_ =	swait.ge [sflag:s22], $0x2000  }
0x8a: {  	[sflag:s22] =	ssyncset.done $0x0  }
0x8b: {  	[sflag:s22] =	ssyncadd.s32 $0xFFFFE000  }
0x8c: {  	_ =	swait.ge [sflag:s22], $0x2000  }
0x8d: {  	s23 =	smulhi.u32 $0x51EB851F, s13;
	[sflag:s22] =	ssyncset.done $0x0  }
0x8e: {  	[sflag:s22] =	ssyncadd.s32 $0xFFFFE000  }
0x8f: {  	s6 =	sshrl.u32 s23, $0x6;
	_ =	swait.ge [sflag:s22], $0x2000  }
0x90: {  	s6 =	smul.u32 $0xFFFF3800, s6;
	[sflag:s22] =	ssyncset.done $0x0  }
0x91: {  	s12 =	simm.s32 $0xFFFF8000;
	[sflag:s22] =	ssyncadd.s32 $0xFFFFE000  }
0x92: {  	s6 =	sshra.s32 s6, $0x2;
	v0 =	vld [tilespmem:s12+$0x16400]  }
0x93: {  	s24 =	sadd.s32 s6, s0  }
0x94: {  	v1 =	vld [tilespmem:s24+$0xFFFFFFE0];
	_ =	sdelay $0x2  }
0x95: {  	v0 =	vmul.f32 $8.000000000e+00, v0;
	_ =	sdelay $0x1  }
0x96: {  	v0 =	vadd.f32 v1, v0  }
0x97: {  	v1 =	vld [tilespmem:s12+$0x16410]  }
0x98: {  	[tilespmem:s12+$0x16400] =	vst v0  }
0x99: {  	v0 =	vld [tilespmem:s24+$0xFFFFFFF0];
	_ =	sdelay $0x2  }
0x9a: {  	v1 =	vmul.f32 $8.000000000e+00, v1;
	_ =	sdelay $0x1  }
0x9b: {  	v0 =	vadd.f32 v0, v1  }
0x9c: {  	v1 =	vld [tilespmem:s12+$0x16420]  }
0x9d: {  	[tilespmem:s12+$0x16410] =	vst v0  }
0x9e: {  	v0 =	vld [tilespmem:s24+$0x0];
	_ =	sdelay $0x2  }
0x9f: {  	v1 =	vmul.f32 $8.000000000e+00, v1;
	_ =	sdelay $0x1  }
0xa0: {  	v1 =	vadd.f32 v0, v1  }
0xa1: {  	v0 =	vld [tilespmem:s12+$0x16430]  }
0xa2: {  	[tilespmem:s12+$0x16420] =	vst v1  }
0xa3: {  	s6 =	sadd.s32 $0x1, s13;
	v1 =	vld [tilespmem:s24+$0x10]  }
0xa4: {  	s7 =	simm.s32 $0xFFFE0200;
	s13 =	simm.s32 $0xFFFE0100;
	s8 =	smulhi.u32 $0x51EB851F, s6  }
.LBB2_5:
0xa5: {  	p0 =	sne.s32 s7, $0xFFFFFF00  }
0xa6: {  	s8 =	sshrl.u32 s8, $0x6;
	v0 =	vmul.f32 $8.000000000e+00, v0  }
0xa7: {  	s8 =	smul.u32 $0xFFFF3800, s8  }
0xa8: {  	s14 =	sshra.s32 s13, $0x2;
	s13 =	smov.u32 s7;
	v0 =	vadd.f32 v1, v0  }
0xa9: {  	s0 =	sadd.s32 $0x40, s0;
	s8 =	sshra.s32 s8, $0x2;
	v1 =	vld [tilespmem:s14+$0x16400]  }
0xaa: {  	s8 =	sadd.s32 s8, s0;
	[tilespmem:s12+$0x16430] =	vst v0;
	s12 =	smov.u32 s14  }
0xab: {  	v0 =	vld [tilespmem:s8+$0xFFFFFFE0];
	_ =	sdelay $0x2  }
0xac: {  	v1 =	vmul.f32 $8.000000000e+00, v1;
	_ =	sdelay $0x1  }
0xad: {  	v0 =	vadd.f32 v0, v1  }
0xae: {  	v1 =	vld [tilespmem:s12+$0x16410]  }
0xaf: {  	[tilespmem:s12+$0x16400] =	vst v0  }
0xb0: {  	v0 =	vld [tilespmem:s8+$0xFFFFFFF0];
	_ =	sdelay $0x2  }
0xb1: {  	v1 =	vmul.f32 $8.000000000e+00, v1;
	_ =	sdelay $0x1  }
0xb2: {  	v0 =	vadd.f32 v0, v1  }
0xb3: {  	v1 =	vld [tilespmem:s12+$0x16420]  }
0xb4: {  	[tilespmem:s12+$0x16410] =	vst v0  }
0xb5: {  	v0 =	vld [tilespmem:s8+$0x0];
	_ =	sdelay $0x2  }
0xb6: {  	v1 =	vmul.f32 $8.000000000e+00, v1;
	_ =	sdelay $0x1  }
.Ltmp1:
0xb7: {  	v1 =	vadd.f32 v0, v1;
	(pc) =	sbr.rel @p0 .LBB2_5-.Ltmp1, $4  }
0xb8: {  	v0 =	vld [tilespmem:s12+$0x16430]  }
0xb9: {  	[tilespmem:s12+$0x16420] =	vst v1  }
0xba: {  	s6 =	sadd.s32 $0x1, s6;
	v1 =	vld [tilespmem:s8+$0x10]  }
0xbb: {  	s7 =	sadd.s32 $0x100, s7;
	s8 =	smulhi.u32 $0x51EB851F, s6  }
0xbc: {  	_ = 	snop  }
0xbd: {  	s6 =	sshrl.u32 s8, $0x6;
	v0 =	vmul.f32 $8.000000000e+00, v0  }
0xbe: {  	s6 =	smul.u32 $0xFFFF3800, s6  }
0xbf: {  	s7 =	sshra.s32 s13, $0x2;
	v0 =	vadd.f32 v1, v0  }
0xc0: {  	s0 =	sadd.s32 $0x40, s0;
	v60 =	vld [tilespmem:s7+$0x16400];
	s6 =	sshra.s32 s6, $0x2  }
0xc1: {  	s0 =	sadd.s32 s6, s0;
	[tilespmem:s12+$0x16430] =	vst v0  }
0xc2: {  	v0 =	vld [tilespmem:s0+$0xFFFFFFE0];
	_ =	sdelay $0x2  }
0xc3: {  	v1 =	vmul.f32 $8.000000000e+00, v60;
	_ =	sdelay $0x1  }
0xc4: {  	v0 =	vadd.f32 v0, v1  }
0xc5: {  	v61 =	vld [tilespmem:s7+$0x16410]  }
0xc6: {  	[tilespmem:s7+$0x16400] =	vst v0  }
0xc7: {  	v0 =	vld [tilespmem:s0+$0xFFFFFFF0];
	_ =	sdelay $0x2  }
0xc8: {  	v1 =	vmul.f32 $8.000000000e+00, v61;
	_ =	sdelay $0x1  }
0xc9: {  	v0 =	vadd.f32 v0, v1  }
0xca: {  	v62 =	vld [tilespmem:s7+$0x16420]  }
0xcb: {  	[tilespmem:s7+$0x16410] =	vst v0  }
0xcc: {  	v0 =	vld [tilespmem:s0+$0x0];
	_ =	sdelay $0x2  }
0xcd: {  	v1 =	vmul.f32 $8.000000000e+00, v62;
	_ =	sdelay $0x1  }
0xce: {  	v0 =	vadd.f32 v0, v1  }
0xcf: {  	v63 =	vld [tilespmem:s7+$0x16430]  }
0xd0: {  	[tilespmem:s7+$0x16420] =	vst v0  }
0xd1: {  	v0 =	vld [tilespmem:s0+$0x10];
	_ =	sdelay $0x1  }
0xd2: {  	s31 =	sadd.s32 $0x1, s31  }
0xd3: {  	p0 =	sne.s32 s31, $0x19;
	v1 =	vmul.f32 $8.000000000e+00, v63  }
.Ltmp2:
0xd4: {  	s24 =	sadd.s32 s4, s1;
	(pc) =	sbr.rel @p0 .LBB2_2-.Ltmp2, $4  }
0xd5: {  	s0 =	sshll.u32 s24, $0x3;
	v0 =	vadd.f32 v0, v1  }
0xd6: {  	s26 =	sadd.s32 $0x10000, s26;
	s30 =	sadd.s32 $0x400, s30;
	s0 =	sand.u32 $0x1FFFF000, s0  }
0xd7: {  	s28 =	sadd.s32 $0x10000, s28;
	s29 =	sadd.s32 $0x400, s29;
	s0 =	sadd.s32 s2, s0;
	[tilespmem:s7+$0x16430] =	vst v0  }
0xd8: {  	[hbm4b:s0+s3] =	stream.linear.scatter [tilespmem:s17], [sflag:$0x4], $0x8000, $0x38;
	[tilespmem:$0x19600] =	vst v63  }
0xd9: {  	s0 =	simm.s32 $0x3  }
0xda: {  	_ =	swait.ge [sflag:s0], $0x8000  }
0xdb: {  	[sflag:s0] =	ssyncset.done $0x0  }
0xdc: {  	s1 =	simm.s32 $0x4;
	[sflag:s0] =	ssyncadd.s32 $0xFFFF8000  }
0xdd: {  	_ =	swait.ge [sflag:s1], $0x8000  }
0xde: {  	s25 =	sadd.s32 $0x1, s25;
	s31 =	rddreg [dreg:$0x5]  }
0xdf: {  	p0 =	sne.s32 s25, s31  }
.Ltmp3:
0xe0: {  	_ = 	snop;
	(pc) =	sbr.rel @p0 .LBB2_1-.Ltmp3, $3  }
0xe1: {  	_ =	sdelay $0x1  }
0xe2: {  	[sflag:s1] =	ssyncset.done $0x0  }
0xe3: {  	[sflag:s1] =	ssyncadd.s32 $0xFFFF8000  }
0xe4: {  	_ =	sfence.sel $0x180000  }
0xe5: {  	[bflag:$0x0] =	sbarrier.arrive $0xFFFF  }
0xe6: {  	_ =	strace $0x90000047  }
0xe7: {  	s0 =	stileid.u32;
	[bflag:$0x2] =	sbarrier.arrive $0xFFFF  }
0xe8: {  	p0 =	sne.s32 s0, $0x0;
	s0 =	rddreg [dreg:$0x2]  }
0xe9: {  	s0 =	sadd.s32 @!p0 $0x100000, s0  }
0xea: {  	[sflag:s0] =	ssyncadd.tile.s32 @!p0 $0x1;
	_ =	shalt  }
.Lfunc_end2:
_tile_overlayer_lowered:
.L_overlay_start_2:
0xeb: {  	(tag) =	ssettag $0x2  }
0xec: {  	s0 =	rddreg [dreg:$0x0];
	s2 =	stileid.u32  }
0xed: {  	s1 =	rddreg [dreg:$0x1];
	p0 =	sne.s32 s2, $0x0  }
0xee: {  	s3 =	rddreg [dreg:$0x2];
	[bflag:$0x3] =	sbarrier.arrive $0xFFFF;
	s2 =	simm.s32 @!p0 $0x1C05  }
0xef: {  	[timem:s3], [sflag:s2] =	dma.local @!p0 [hbm:s0], s1  }
0xf0: {  	s0 =	simm.s32 @!p0 $0x5  }
0xf1: {  	_ =	swait.ge @!p0 [sflag:s0], s1  }
0xf2: {  	s1 =	ssub.s32 @!p0 $0x0, s1;
	[sflag:s0] =	ssyncset.done @!p0 $0x0  }
0xf3: {  	[sflag:s0] =	ssyncadd.s32 @!p0 s1  }
0xf4: {  	[bflag:$0x3] =	sbarrier.arrive $0xFFFF  }
0xf5: {  	_ =	shalt  }

// kernel: sparse-core-data-format-call.cloned.1.call-start
scs
called_computation_lowered:
.L_overlay_start_0:
0x0: {  	s2 =	sld [smem:$0x3FD9]  }
0x1: {  	s3 =	sld [smem:$0x3FFE];
	_ =	sdelay $0x1  }
0x2: {  	s1 =	srdreg.scid  }
0x3: {  	s0 =	sand.u32 $0x1, s1  }
0x4: {  	s18 =	sshll.u32 s0, $0xA;
	s2 =	sadd.s32 s3, s2  }
0x5: {  	s2 =	sadd.s32 s2, s18  }
0x6: {  	[smem:$0x3FC5] =	sst s2  }
0x7: {  	_ = 	snop  }
0x8: {  	s2 =	sld [smem:$0x3FD0];
	(tm) =	ssettm $0x1  }
0x9: {  	s19 =	sld [smem:$0x3FFB];
	_ =	sdelay $0x3  }
0xa: {  	_ =	strace s19  }
0xb: {  	s3 =	sld [smem:$0x3FFC];
	_ =	sdelay $0x3  }
0xc: {  	_ =	strace s3  }
0xd: {  	s3 =	sld [smem:$0x3FFD];
	_ =	sdelay $0x3  }
0xe: {  	_ =	strace s3  }
0xf: {  	_ =	strace $0x8FFFFFFF  }
0x10: {  	s20 =	sld [smem:$0x3FDB];
	_ =	sdelay $0x1  }
0x11: {  	s4 =	simm.s32 $_scs_section_size  }
0x12: {  	s5 =	simm.s32 $_size__tile_overlayer_lowered;
	s6 =	simm.s32 $_tile_overlayer_lowered  }
0x13: {  	s23 =	simm.s32 $0x1BFF;
	s22 =	sshll.u32 s6, $0x1;
	s3 =	sadd.s32 s4, s20  }
0x14: {  	s7 =	simm.s32 $0x0;
	s21 =	sshll.u32 s5, $0x1;
	s5 =	sadd.s32 s22, s3  }
0x15: {  	[timem:s7], [sflag:s23] =	dma.local [hbm:s5], s21  }
0x16: {  	_ =	swait.ge [sflag:s23], s21  }
0x17: {  	s4 =	ssub.s32 $0x0, s21;
	[sflag:s23] =	ssyncset.done $0x0  }
0x18: {  	[sflag:s23] =	ssyncadd.s32 s4;
	_ =	sdelay $0x1  }
0x19: {  	s24 =	simm.s32 $0x1B8B  }
0x1a: {  	_ =	swait.ge [sflag:s24], $0x1  }
0x1b: {  	[sflag:s24] =	ssyncset.done $0x0  }
0x1c: {  	s26 =	simm.s32 $0x1B8E;
	s25 =	sld [smem:$0x3FFE];
	[sflag:s24] =	ssyncadd.s32 $0xFFFFFFFF  }
0x1d: {  	s27 =	simm.s32 $execute0_lowered;
	[smem:$0x3FD2] =	sst s26  }
0x1e: {  	s5 =	sshll.u32 s27, $0x1;
	_ =	strace $0x80000049;
	[dreg:$0x1] =	wrdreg $0xFFFFFFFF  }
0x1f: {  	s28 =	simm.s32 $_size_execute0_lowered;
	s3 =	sadd.s32 s3, s5;
	[dreg:$0x0] =	wrdreg $0x0  }
0x20: {  	s5 =	sshll.u32 s28, $0x1;
	[dreg:$0x2] =	wrdreg s3  }
0x21: {  	[dreg:$0x3] =	wrdreg s5  }
0x22: {  	[dreg:$0x4] =	wrdreg $0xC0  }
0x23: {  	_ =	task [dreg:s7], $0x5FFFF  }
0x24: {  	[dreg:$0x1] =	wrdreg $0xFFFFFFFF  }
0x25: {  	[dreg:$0x0] =	wrdreg $0x60  }
0x26: {  	[dreg:$0x2] =	wrdreg s25  }
0x27: {  	[dreg:$0x3] =	wrdreg s2  }
0x28: {  	[dreg:$0x4] =	wrdreg $0x9  }
0x29: {  	_ =	task.clear_ibuf [dreg:s7], $0x5FFFF;
	_ =	strace $0x90000049  }
0x2a: {  	s29 =	simm.s32 $0x9;
	_ =	strace $0x8000004B  }
0x2b: {  	_ =	swait.ge [sflag:s29], $0x1  }
0x2c: {  	[sflag:s29] =	ssyncadd.s32 $0xFFFFFFFF  }
0x2d: {  	_ =	strace $0x9000004B  }
0x2e: {  	_ =	sfence  }
0x2f: {  	s30 =	sld [smem:$0x0];
	_ =	sdelay $0x2  }
0x30: {  	s31 =	sshll.u32 s1, $0xD;
	s1 =	sshrl.u32 s1, $0x2  }
0x31: {  	s3 =	sand.u32 $0x4000, s31;
	s1 =	sadd.s32 s1, s30  }
0x32: {  	s0 =	sor.u32 s3, s0;
	s1 =	sshll.u32 s1, $0x11  }
0x33: {  	s0 =	sor.u32 s1, s0  }
0x34: {  	s0 =	sadd.s32 $0x8F2B, s0  }
0x35: {  	[sflag:s0] =	ssyncadd.remote.s32 $0x1  }
0x36: {  	_ =	sfence.sel $0xFFFF  }
0x37: {  	[dreg:$0x0] =	wrdreg $0xFFFFFFFF;
	(pc) =	sbr.abs _section_cstart, $3  }
0x38: {  	[dreg:$0x1] =	wrdreg $0xFFFFFFFF  }
0x39: {  	_ =	task.clear_ibuf [dreg:s7], $0x2FFFF;
	_ =	strace $0x9FFFFFFF  }
0x3a: {  	(tm) =	ssettm $0x7FFFFFFF  }
0x3b: {  	_ =	shalt  }
tec
execute0_lowered:
.L_overlay_start_1:
0x0: {  	(tag) =	ssettag $0x1  }
0x1: {  	s0 =	srdreg.scid  }
0x2: {  	s1 =	sshll.u32 s0, $0x4  }
0x3: {  	s0 =	stileid.u32;
	s1 =	sand.u32 $0x10, s1  }
0x4: {  	s1 =	sor.u32 s0, s1  }
0x5: {  	s6 =	rddreg [dreg:$0x0];
	s4 =	simm.s32 $0x1;
	s2 =	sshll.u32 s1, $0x7  }
0x6: {  	s7 =	simm.s32 $0x2;
	s12 =	simm.s32 $0x0;
	s1 =	ssub.s32 $0x1000, s2  }
0x7: {  	s8 =	simm.s32 $0x8000;
	s13 =	simm.s32 $0x0;
	s3 =	sand.u32 $0xF80, s1  }
0x8: {  	s9 =	simm.s32 $0x0;
	s5 =	sshrl.u32 s1, $0xC;
	p0 =	sne.s32 s3, $0x0  }
.Ltmp0:
0x9: {  	s1 =	rddreg [dreg:$0x2];
	s4 =	simm.s32 @!p0 $0x0;
	(pc) =	sbr.rel .LBB1_1-.Ltmp0, $4  }
0xa: {  	s11 =	simm.s32 $0x0;
	s3 =	rddreg [dreg:$0x1];
	s5 =	sadd.s32 s4, s5  }
0xb: {  	_ =	strace $0x8000004A;
	s4 =	simm.s32 $0x1;
	s5 =	smul.u32 $0xC8, s5  }
0xc: {  	s6 =	sadd.s32 $0xC00, s6;
	s10 =	smov.u32 s2;
	[sflag:s4] =	ssyncpa.u1 $0x0  }
0xd: {  	p0 =	por $0x0, $0x0;
	[sflag:s7] =	ssyncpa.u1 $0x0;
	s7 =	sor.u32 $0x1, s5  }
.LBB1_4:
0xe: {  	s16 =	sshll.u32 s13, $0x3;
	s17 =	sand.u32 $0x78, s13  }
0xf: {  	s30 =	sand.u32 $0x7E00, s13;
	s12 =	sshll.u32 s12, $0xF;
	s16 =	sand.u32 $0xC00, s16  }
0x10: {  	[tilespmem:s15+$0x810 ss:$0x81] =	vst.msk $0xffff, v2;
	s31 =	sand.u32 $0x7, s13;
	s16 =	sor.u32 s17, s16;
	s17 =	sadd.s32 s3, s30  }
0x11: {  	[tilespmem:s15+$0x1020 ss:$0x81] =	vst.msk $0xffff, v0;
	s13 =	sshll.u32 s31, $0x12;
	s12 =	sadd.s32 s12, s17;
	s16 =	sshrl.u32 s16, $0x3  }
0x12: {  	[tilespmem:s15+$0x0 ss:$0x81] =	vst.msk $0xffff, v1;
	s13 =	sor.u32 $0x400, s13;
	s12 =	sadd.s32 s16, s12  }
0x13: {  	[hbm4b:s12+s13] =	stream.strided.scatter [tilespmem:s14], [sflag:$0x2], $0x2000, s8, s13, $0x20;
	[tilespmem:$0x8080] =	vst v63  }
.LBB1_5:
0x14: {  	s14 =	sadd.s32 $0x1, s9  }
0x15: {  	s12 =	sadd.s32 $0x1000, s10;
	s16 =	smov.u32 s10;
	p2 =	sgt.s32 s14, $0xC7  }
0x16: {  	s16 =	smov.u32 @p2 s12  }
0x17: {  	s14 =	simm.s32 @p2 $0x0;
	p2 =	sgt.s32 s16, $0xFFF  }
0x18: {  	s16 =	smov.u32 @p2 s2;
	p2 =	sne.s32 s11, s7  }
.Ltmp1:
0x19: {  	p1 =	slt.u32 s11, $0x2;
	(pc) =	sbr.rel @!p2 .LBB1_6-.Ltmp1, $4  }
0x1a: {  	s15 =	simm.s32 @!p1 $0x2  }
0x1b: {  	s13 =	smov.u32 s10;
	p0 =	por !p0, !p0;
	_ =	swait.ge @!p1 [sflag:s15], $0x2000  }
0x1c: {  	s12 =	smov.u32 s9;
	[sflag:s15] =	ssyncset.done @!p1 $0x0;
	s9 =	smov.u32 s14  }
0x1d: {  	s11 =	sadd.s32 $0x1, s11;
	[sflag:s15] =	ssyncadd.s32 @!p1 $0xFFFFE000;
	s10 =	smov.u32 s16  }
.LBB1_1:
0x1e: {  	p1 =	sge.u32 s11, s5  }
0x1f: {  	s14 =	sand.u32 @!p1 $0x1FFFFFF, s9  }
0x20: {  	s15 =	smulhi.u32 @!p1 $0x147AE15, s14;
	_ =	sdelay $0x1  }
0x21: {  	s15 =	smul.u32 @!p1 $0xC8, s15  }
0x22: {  	s16 =	sxor.u32 @!p1 $0xFFFFFFFF, s11;
	s17 =	smul.u32 @!p1 $0xC80, s10  }
0x23: {  	s31 =	sadd.s32 $0xFFFFFFFF, s11;
	s16 =	sshll.u32 @!p1 s16, $0xD;
	s14 =	ssub.s32 @!p1 s14, s15  }
0x24: {  	s15 =	sand.u32 @!p1 $0x2000, s16;
	s16 =	sadd.s32 @!p1 s6, s17;
	s14 =	sshll.u32 @!p1 s14, $0x4  }
0x25: {  	s17 =	simm.s32 @!p1 $0x6400;
	s14 =	sadd.s32 @!p1 s14, s16;
	s16 =	simm.s32 @!p1 $0x40  }
0x26: {  	[tilespmem:s15], [sflag:$0x1] =	stream.strided.gather @!p1 [hbm4b:s14+s16], $0x2000, s17, s16, $0x38;
	[tilespmem:$0x8080] =	vst v63  }
0x27: {  	p1 =	sge.u32 s31, s5  }
.Ltmp2:
0x28: {  	_ = 	snop;
	(pc) =	sbr.rel @p1 .LBB1_5-.Ltmp2, $1  }
0x29: {  	_ =	sdelay $0x3  }
0x2a: {  	s14 =	simm.s32 $0x1  }
0x2b: {  	_ =	swait.ge [sflag:s4], $0x2000;
	s14 =	simm.s32 @!p0 $0x0  }
0x2c: {  	[sflag:s4] =	ssyncset.done $0x0;
	s15 =	sshll.u32 s14, $0xD  }
0x2d: {  	[sflag:s4] =	ssyncadd.s32 $0xFFFFE000;
	s18 =	sor.u32 $0x20, s15  }
0x2e: {  	s14 =	smul.u32 $0x8100, s14;
	v3 =	vld [tilespmem:s18+$0x10]  }
0x2f: {  	s30 =	sand.u32 $0x1, s11;
	v2 =	vld [tilespmem:s18+$0xFFFFFFF0]  }
0x30: {  	s15 =	smul.u32 $0x8100, s30;
	s14 =	sshrl.u32 s14, $0x2;
	v0 =	vld [tilespmem:s18+$0x0]  }
0x31: {  	v1 =	vld [tilespmem:s18+$0xFFFFFFE0];
	s16 =	sor.u32 $0x4000, s14  }
0x32: {  	s31 =	sshrl.u32 s15, $0x2;
	s15 =	sadd.s32 $0x0, s16  }
0x33: {  	s17 =	simm.s32 $0x4;
	s18 =	sadd.s32 $0x40, s18;
	s14 =	sor.u32 $0x4000, s31;
	[tilespmem:s15+$0x1830 ss:$0x81] =	vst.msk $0xffff, v3  }
.LBB1_3:
0x34: {  	v3 =	vld [tilespmem:s18+$0x10];
	p1 =	sne.s32 s17, $0x1FC;
	[tilespmem:s15+$0x810 ss:$0x81] =	vst.msk $0xffff, v2;
	s19 =	smov.u32 s17;
	s17 =	sadd.s32 $0x4, s17  }
.Ltmp3:
0x35: {  	v2 =	vld [tilespmem:s18+$0xFFFFFFF0];
	[tilespmem:s15+$0x1020 ss:$0x81] =	vst.msk $0xffff, v0;
	(pc) =	sbr.rel @p1 .LBB1_3-.Ltmp3, $4  }
0x36: {  	v0 =	vld [tilespmem:s18+$0x0];
	[tilespmem:s15+$0x0 ss:$0x81] =	vst.msk $0xffff, v1  }
0x37: {  	s15 =	sshra.s32 s19, $0x2;
	v1 =	vld [tilespmem:s18+$0xFFFFFFE0]  }
0x38: {  	s15 =	sadd.s32 s15, s16  }
0x39: {  	s18 =	sadd.s32 $0x40, s18;
	[tilespmem:s15+$0x1830 ss:$0x81] =	vst.msk $0xffff, v3  }
.Ltmp4:
0x3a: {  	_ = 	snop;
	(pc) =	sbr.rel .LBB1_4-.Ltmp4, $1  }
0x3b: {  	_ =	sdelay $0x3  }
.LBB1_6:
0x3c: {  	_ =	sfence.sel $0x180000  }
0x3d: {  	s2 =	simm.s32 $0x1;
	[bflag:$0x0] =	sbarrier.arrive $0xFFFF  }
0x3e: {  	s31 =	simm.s32 $0x2;
	[sflag:s2] =	ssyncpa.u1 $0x1  }
0x3f: {  	[sflag:s31] =	ssyncpa.u1 $0x1  }
0x40: {  	p0 =	sne.s32 s0, $0x0;
	_ =	strace $0x9000004A  }
0x41: {  	s0 =	sadd.s32 @!p0 $0x100000, s1;
	[bflag:$0x2] =	sbarrier.arrive $0xFFFF  }
0x42: {  	[sflag:s0] =	ssyncadd.tile.s32 @!p0 $0x1;
	_ =	shalt  }
.Lfunc_end1:
_tile_overlayer_lowered:
.L_overlay_start_2:
0x43: {  	(tag) =	ssettag $0x2  }
0x44: {  	s0 =	rddreg [dreg:$0x0];
	s2 =	stileid.u32  }
0x45: {  	s1 =	rddreg [dreg:$0x1];
	p0 =	sne.s32 s2, $0x0  }
0x46: {  	s3 =	rddreg [dreg:$0x2];
	[bflag:$0x3] =	sbarrier.arrive $0xFFFF;
	s2 =	simm.s32 @!p0 $0x1C01  }
0x47: {  	[timem:s3], [sflag:s2] =	dma.local @!p0 [hbm:s0], s1  }
0x48: {  	s0 =	simm.s32 @!p0 $0x1  }
0x49: {  	_ =	swait.ge @!p0 [sflag:s0], s1  }
0x4a: {  	s1 =	ssub.s32 @!p0 $0x0, s1;
	[sflag:s0] =	ssyncset.done @!p0 $0x0  }
0x4b: {  	[sflag:s0] =	ssyncadd.s32 @!p0 s1  }
0x4c: {  	[bflag:$0x3] =	sbarrier.arrive $0xFFFF  }
0x4d: {  	_ =	shalt  }

</sc_bundles>
